<compile_context>
chip_gen: v7x
topology: tpu7x:2x2x1
jax: 0.10.2.dev20260603
libtpu: 0.0.44.dev20260713+nightly
codegen_flags: <defaults>
</compile_context>

<pallas_src>
import jax
import jax.numpy as jnp
from jax import lax
from jax.experimental import pallas as pl
from jax.experimental.pallas import tpu as pltpu
from jax.experimental.pallas import tpu_sc as plsc

RES = 128
EMA_TAU = 0.95
NVOX = RES * RES * RES
NS = 16
NP = 1 << 20
CHUNK = NP // NS
SUB = CHUNK // 4


def _idx_body(n_real, blk, nh, pos_ref, amin_ref, amax_ref, idx_ref):
    pos = pos_ref[...]
    amin = amin_ref[...]
    amax = amax_ref[...]
    xn = (pos - amin) / (amax - amin)
    xn = jnp.clip(xn, 0.0, 1.0)
    c = jnp.clip((xn * RES).astype(jnp.int32), 0, RES - 1)
    idx = c[0:1, :] * (RES * RES) + c[1:2, :] * RES + c[2:3, :]
    lane = jax.lax.broadcasted_iota(jnp.int32, idx.shape, 1) \
        + pl.program_id(0) * blk
    real = lane < n_real
    row0 = jnp.where(real, jnp.minimum(idx, nh), nh)
    row1 = jnp.where(real & (idx >= nh), idx - nh, nh)
    idx_ref[...] = jnp.concatenate([row0, row1], axis=0)


def _compute_idx(pos_t, amin, amax, n_real, nh):
    B = 1 << 16
    nblk = NP // B
    return pl.pallas_call(
        lambda *refs: _idx_body(n_real, B, nh, *refs),
        grid=(nblk,),
        in_specs=[
            pl.BlockSpec((3, B), lambda i: (0, i)),
            pl.BlockSpec((3, 1), lambda i: (0, 0)),
            pl.BlockSpec((3, 1), lambda i: (0, 0)),
        ],
        out_specs=pl.BlockSpec((2, B), lambda i: (0, i)),
        out_shape=jax.ShapeDtypeStruct((2, NP), jnp.int32),
    )(pos_t, amin, amax)


NH = NVOX // 2
TRASH = NH
GS = NH // NS


def _sc_body(idx_hbm, dens_hbm, ones_hbm, zeros_hbm, sum_hbm, cnt_hbm,
             idx_v, val_v, ones_v, shared):
    cid = lax.axis_index("c")
    sid = lax.axis_index("s")
    base_vox = cid * NH
    gbase = sid * GS
    base = sid * CHUNK

    pltpu.sync_copy(ones_hbm, ones_v)

    for p, out_hbm in ((0, sum_hbm), (1, cnt_hbm)):
        pltpu.sync_copy(zeros_hbm.at[pl.ds(gbase, GS)],
                        shared.at[pl.ds(gbase, GS)])
        plsc.subcore_barrier()

        for j in range(CHUNK // SUB):
            off = base + j * SUB
            pltpu.sync_copy(idx_hbm.at[cid, pl.ds(off, SUB)], idx_v)
            if p == 0:
                pltpu.sync_copy(dens_hbm.at[pl.ds(off, SUB)], val_v)
                pltpu.sync_copy(val_v, shared.at[idx_v], add=True)
            else:
                pltpu.sync_copy(ones_v, shared.at[idx_v], add=True)
        plsc.subcore_barrier()

        pltpu.sync_copy(shared.at[pl.ds(gbase, GS)],
                        out_hbm.at[pl.ds(base_vox + gbase, GS)])


_sc_scatter = pl.kernel(
    _sc_body,
    out_type=(
        jax.ShapeDtypeStruct((NVOX,), jnp.float32),
        jax.ShapeDtypeStruct((NVOX,), jnp.float32),
    ),
    mesh=plsc.VectorSubcoreMesh(core_axis_name="c", subcore_axis_name="s"),
    scratch_types=[
        pltpu.VMEM((SUB,), jnp.int32),
        pltpu.VMEM((SUB,), jnp.float32),
        pltpu.VMEM((SUB,), jnp.float32),
        pltpu.VMEM_SHARED((NH + 8,), jnp.float32),
    ],
)


def _ema_body(ema_ref, sum_ref, cnt_ref, out_ref):
    ema = ema_ref[...]
    s = sum_ref[...]
    c = cnt_ref[...]
    mean = jnp.where(c > 0.0, s / jnp.where(c > 0.0, c, 1.0), 0.0)
    out_ref[...] = EMA_TAU * ema + (1.0 - EMA_TAU) * mean


def _ema_combine(ema, gsum, gcnt):
    R, C = 2048, 1024
    BR = 256
    return pl.pallas_call(
        _ema_body,
        grid=(R // BR,),
        in_specs=[pl.BlockSpec((BR, C), lambda i: (i, 0))] * 3,
        out_specs=pl.BlockSpec((BR, C), lambda i: (i, 0)),
        out_shape=jax.ShapeDtypeStruct((R, C), jnp.float32),
    )(ema.reshape(R, C), gsum.reshape(R, C), gcnt.reshape(R, C))


@jax.jit
def kernel(positions, densities, grid_ema, aabb_min, aabb_max):
    n = positions.shape[0]
    pos_t = jnp.pad(positions, ((0, NP - n), (0, 0))).T
    idx = _compute_idx(pos_t, aabb_min.reshape(3, 1),
                       aabb_max.reshape(3, 1), n, NH)
    dens_p = jnp.pad(densities, (0, NP - n))
    ones = jnp.ones((SUB,), jnp.float32)
    zeros = jnp.zeros((NH,), jnp.float32)
    gsum, gcnt = _sc_scatter(idx, dens_p, ones, zeros)
    out = _ema_combine(grid_ema.reshape(-1), gsum, gcnt)
    return out.reshape(RES, RES, RES)

# --- scband reference (transcript-rebuilt; emitter-appended) ---
"""Pipeline reference for scband-occupancy-grid-2439541424396 (READ-ONLY COPY).

The authoritative reference and input builder live on the scoring server;
editing this copy changes nothing except your own understanding.
"""

import jax, jax.numpy as jnp
import numpy as np

RES = 128
EMA_TAU = 0.95
THRESHOLD = 0.01
N = 1000000


def setup_inputs(seed: int = 0) -> dict:
    key = jax.random.key(seed)
    k1, k2 = jax.random.split(key, 2)
    positions = jax.random.normal(k1, (N, 3), dtype=jnp.float32)
    densities = jax.random.uniform(k2, (N,), dtype=jnp.float32)
    grid_ema = jnp.ones((RES, RES, RES), dtype=jnp.float32)
    aabb_min = jnp.array([-1.5, -1.5, -1.5], dtype=jnp.float32)
    aabb_max = jnp.array([1.5, 1.5, 1.5], dtype=jnp.float32)
    return {
        "positions": positions,
        "densities": densities,
        "grid_ema": grid_ema,
        "aabb_min": aabb_min,
        "aabb_max": aabb_max,
    }


def reference(positions, densities, grid_ema, aabb_min, aabb_max):
    # OccupancyGrid.update (level 0): scatter-mean densities into voxel grid,
    # then EMA update. Returns the new grid_ema (the binary grid is a simple
    # threshold of this output).
    xyz_normalized = (positions - aabb_min) / (aabb_max - aabb_min)
    xyz_normalized = jnp.clip(xyz_normalized, 0.0, 1.0)
    grid_coords = jnp.clip((xyz_normalized * RES).astype(jnp.int32), 0, RES - 1)
    flat_idx = jax.lax.stop_gradient(
        grid_coords[:, 0] * RES * RES + grid_coords[:, 1] * RES + grid_coords[:, 2]
    )
    grid_update = jnp.zeros(RES * RES * RES, dtype=jnp.float32).at[flat_idx].add(densities)
    grid_count = jnp.zeros(RES * RES * RES, dtype=jnp.float32).at[flat_idx].add(
        jnp.ones_like(densities)
    )
    valid = grid_count > 0
    grid_update = jnp.where(valid, grid_update / jnp.where(valid, grid_count, 1.0), grid_update)
    ema_new = EMA_TAU * grid_ema.reshape(-1) + (1.0 - EMA_TAU) * grid_update
    return ema_new.reshape(RES, RES, RES)

if __name__ == "__main__":
    import jax
    _d = setup_inputs()
    print(jax.jit(kernel)(*tuple(_d.values())))

</pallas_src>

<mosaic_0001>
#map = affine_map<(d0, d1) -> (0, 0)>
#map1 = affine_map<(d0, d1) -> (0)>
module attributes {stable_mosaic.version = 14 : i64} {
  func.func @_sc_body(%arg0: i32, %arg1: i32, %arg2: memref<2x1048576xi32, #tpu.memory_space<hbm>>, %arg3: memref<1048576xf32, #tpu.memory_space<hbm>>, %arg4: memref<16384xf32, #tpu.memory_space<hbm>>, %arg5: memref<1048576xf32, #tpu.memory_space<hbm>>, %arg6: memref<2097152xf32, #tpu.memory_space<hbm>>, %arg7: memref<2097152xf32, #tpu.memory_space<hbm>>, %arg8: memref<16384xi32, #tpu.memory_space<vmem>>, %arg9: memref<16384xf32, #tpu.memory_space<vmem>>, %arg10: memref<16384xf32, #tpu.memory_space<vmem>>, %arg11: memref<1048584xf32, #tpu.memory_space<vmem_shared>>) attributes {dimension_semantics = [#tpu.dimension_semantics<core_parallel>, #tpu.dimension_semantics<subcore_parallel>], iteration_bounds = array<i64: 2, 16>, scalar_prefetch = 0 : i64, scratch_operands = 4 : i64, tpu.core_type = #tpu.core_type<sc_vector_subcore>, window_params = [{transform_indices = #map}, {transform_indices = #map1}, {transform_indices = #map1}, {transform_indices = #map1}, {transform_indices = #map1}, {transform_indices = #map1}]} {
    %mul3A = arith.constant 1048576 : i32
    %mul3A_0 = arith.muli %arg0, %mul3A : i32
    %mul3A_1 = arith.constant 65536 : i32
    %mul3A_2 = arith.muli %arg1, %mul3A_1 : i32
    %mul3A_3 = arith.constant 65536 : i32
    %mul3A_4 = arith.muli %arg1, %mul3A_3 : i32
    "tpu.region"() ({
      %run_scoped3A = tpu.sem_alloc : memref<!tpu.dma_semaphore, #tpu.memory_space<semaphore_mem>>
      tpu.enqueue_dma source(%arg4 : memref<16384xf32, #tpu.memory_space<hbm>>) target(%arg10 : memref<16384xf32, #tpu.memory_space<vmem>>) target_semaphore(%run_scoped3A : memref<!tpu.dma_semaphore, #tpu.memory_space<semaphore_mem>>)
      tpu.wait_dma2 semaphore(%run_scoped3A : memref<!tpu.dma_semaphore, #tpu.memory_space<semaphore_mem>>) src(%arg4 : memref<16384xf32, #tpu.memory_space<hbm>>) dst(%arg10 : memref<16384xf32, #tpu.memory_space<vmem>>)
      tpu.yield
    }) : () -> ()
    "tpu.region"() ({
      %run_scoped3A = tpu.sem_alloc : memref<!tpu.dma_semaphore, #tpu.memory_space<semaphore_mem>>
      %dma_start3A = tpu.memref_slice %arg11[%mul3A_2] : memref<1048584xf32, #tpu.memory_space<vmem_shared>> -> memref<65536xf32, #tpu.memory_space<vmem_shared>>
      %dma_start3A_25 = tpu.memref_slice %arg5[%mul3A_2] : memref<1048576xf32, #tpu.memory_space<hbm>> -> memref<65536xf32, #tpu.memory_space<hbm>>
      tpu.enqueue_dma source(%dma_start3A_25 : memref<65536xf32, #tpu.memory_space<hbm>>) target(%dma_start3A : memref<65536xf32, #tpu.memory_space<vmem_shared>>) target_semaphore(%run_scoped3A : memref<!tpu.dma_semaphore, #tpu.memory_space<semaphore_mem>>)
      %dma_wait3A = tpu.memref_slice %arg11[%mul3A_2] : memref<1048584xf32, #tpu.memory_space<vmem_shared>> -> memref<65536xf32, #tpu.memory_space<vmem_shared>>
      %dma_wait3A_26 = tpu.memref_slice %arg5[%mul3A_2] : memref<1048576xf32, #tpu.memory_space<hbm>> -> memref<65536xf32, #tpu.memory_space<hbm>>
      tpu.wait_dma2 semaphore(%run_scoped3A : memref<!tpu.dma_semaphore, #tpu.memory_space<semaphore_mem>>) src(%dma_wait3A_26 : memref<65536xf32, #tpu.memory_space<hbm>>) dst(%dma_wait3A : memref<65536xf32, #tpu.memory_space<vmem_shared>>)
      tpu.yield
    }) : () -> ()
    %barrier3A = arith.constant 0 : index
    tpu.barrier barrier_id(%barrier3A)
    %add3A = arith.constant 0 : i32
    %add3A_5 = arith.addi %mul3A_4, %add3A : i32
    "tpu.region"() ({
      %run_scoped3A = tpu.sem_alloc : memref<!tpu.dma_semaphore, #tpu.memory_space<semaphore_mem>>
      %dma_start3A = tpu.memref_slice %arg2[%arg0, %add3A_5] : memref<2x1048576xi32, #tpu.memory_space<hbm>> -> memref<1x16384xi32, #tpu.memory_space<hbm>>
      %dma_start3A_25 = tpu.memref_squeeze %dma_start3A : memref<1x16384xi32, #tpu.memory_space<hbm>> -> memref<16384xi32, #tpu.memory_space<hbm>>
      %dma_start3A_26 = tpu.memref_slice %arg2[%arg0, %add3A_5] : memref<2x1048576xi32, #tpu.memory_space<hbm>> -> memref<1x16384xi32, #tpu.memory_space<hbm>>
      %dma_start3A_27 = tpu.memref_squeeze %dma_start3A_26 : memref<1x16384xi32, #tpu.memory_space<hbm>> -> memref<16384xi32, #tpu.memory_space<hbm>>
      tpu.enqueue_dma source(%dma_start3A_27 : memref<16384xi32, #tpu.memory_space<hbm>>) target(%arg8 : memref<16384xi32, #tpu.memory_space<vmem>>) target_semaphore(%run_scoped3A : memref<!tpu.dma_semaphore, #tpu.memory_space<semaphore_mem>>)
      %dma_wait3A = tpu.memref_slice %arg2[%arg0, %add3A_5] : memref<2x1048576xi32, #tpu.memory_space<hbm>> -> memref<1x16384xi32, #tpu.memory_space<hbm>>
      %dma_wait3A_28 = tpu.memref_squeeze %dma_wait3A : memref<1x16384xi32, #tpu.memory_space<hbm>> -> memref<16384xi32, #tpu.memory_space<hbm>>
      %dma_wait3A_29 = tpu.memref_slice %arg2[%arg0, %add3A_5] : memref<2x1048576xi32, #tpu.memory_space<hbm>> -> memref<1x16384xi32, #tpu.memory_space<hbm>>
      %dma_wait3A_30 = tpu.memref_squeeze %dma_wait3A_29 : memref<1x16384xi32, #tpu.memory_space<hbm>> -> memref<16384xi32, #tpu.memory_space<hbm>>
      tpu.wait_dma2 semaphore(%run_scoped3A : memref<!tpu.dma_semaphore, #tpu.memory_space<semaphore_mem>>) src(%dma_wait3A_30 : memref<16384xi32, #tpu.memory_space<hbm>>) dst(%arg8 : memref<16384xi32, #tpu.memory_space<vmem>>)
      tpu.yield
    }) : () -> ()
    "tpu.region"() ({
      %run_scoped3A = tpu.sem_alloc : memref<!tpu.dma_semaphore, #tpu.memory_space<semaphore_mem>>
      %dma_start3A = tpu.memref_slice %arg3[%add3A_5] : memref<1048576xf32, #tpu.memory_space<hbm>> -> memref<16384xf32, #tpu.memory_space<hbm>>
      %dma_start3A_25 = tpu.memref_slice %arg3[%add3A_5] : memref<1048576xf32, #tpu.memory_space<hbm>> -> memref<16384xf32, #tpu.memory_space<hbm>>
      tpu.enqueue_dma source(%dma_start3A_25 : memref<16384xf32, #tpu.memory_space<hbm>>) target(%arg9 : memref<16384xf32, #tpu.memory_space<vmem>>) target_semaphore(%run_scoped3A : memref<!tpu.dma_semaphore, #tpu.memory_space<semaphore_mem>>)
      %dma_wait3A = tpu.memref_slice %arg3[%add3A_5] : memref<1048576xf32, #tpu.memory_space<hbm>> -> memref<16384xf32, #tpu.memory_space<hbm>>
      %dma_wait3A_26 = tpu.memref_slice %arg3[%add3A_5] : memref<1048576xf32, #tpu.memory_space<hbm>> -> memref<16384xf32, #tpu.memory_space<hbm>>
      tpu.wait_dma2 semaphore(%run_scoped3A : memref<!tpu.dma_semaphore, #tpu.memory_space<semaphore_mem>>) src(%dma_wait3A_26 : memref<16384xf32, #tpu.memory_space<hbm>>) dst(%arg9 : memref<16384xf32, #tpu.memory_space<vmem>>)
      tpu.yield
    }) : () -> ()
    "tpu.region"() ({
      %run_scoped3A = tpu.sem_alloc : memref<!tpu.dma_semaphore, #tpu.memory_space<semaphore_mem>>
      %dma_start3A = arith.constant 0 : i32
      %dma_start3A_25 = tpu.memref_slice %arg11[%dma_start3A] : memref<1048584xf32, #tpu.memory_space<vmem_shared>> -> memref<1048584xf32, #tpu.memory_space<vmem_shared>>
      tpu.enqueue_indirect_dma source(%arg9 : memref<16384xf32, #tpu.memory_space<vmem>>) target(%dma_start3A_25 : memref<1048584xf32, #tpu.memory_space<vmem_shared>>) offsets(%arg8 : memref<16384xi32, #tpu.memory_space<vmem>>) semaphore(%run_scoped3A : memref<!tpu.dma_semaphore, #tpu.memory_space<semaphore_mem>>) {add = true}
      %dma_wait3A = arith.constant 0 : i32
      %dma_wait3A_26 = tpu.memref_slice %arg11[%dma_wait3A] : memref<1048584xf32, #tpu.memory_space<vmem_shared>> -> memref<1048584xf32, #tpu.memory_space<vmem_shared>>
      tpu.wait_indirect_dma semaphore(%run_scoped3A : memref<!tpu.dma_semaphore, #tpu.memory_space<semaphore_mem>>) src(%arg9 : memref<16384xf32, #tpu.memory_space<vmem>>) dst(%dma_wait3A_26 : memref<1048584xf32, #tpu.memory_space<vmem_shared>>)
      tpu.yield
    }) : () -> ()
    %add3A_6 = arith.constant 16384 : i32
    %add3A_7 = arith.addi %mul3A_4, %add3A_6 : i32
    "tpu.region"() ({
      %run_scoped3A = tpu.sem_alloc : memref<!tpu.dma_semaphore, #tpu.memory_space<semaphore_mem>>
      %dma_start3A = tpu.memref_slice %arg2[%arg0, %add3A_7] : memref<2x1048576xi32, #tpu.memory_space<hbm>> -> memref<1x16384xi32, #tpu.memory_space<hbm>>
      %dma_start3A_25 = tpu.memref_squeeze %dma_start3A : memref<1x16384xi32, #tpu.memory_space<hbm>> -> memref<16384xi32, #tpu.memory_space<hbm>>
      %dma_start3A_26 = tpu.memref_slice %arg2[%arg0, %add3A_7] : memref<2x1048576xi32, #tpu.memory_space<hbm>> -> memref<1x16384xi32, #tpu.memory_space<hbm>>
      %dma_start3A_27 = tpu.memref_squeeze %dma_start3A_26 : memref<1x16384xi32, #tpu.memory_space<hbm>> -> memref<16384xi32, #tpu.memory_space<hbm>>
      tpu.enqueue_dma source(%dma_start3A_27 : memref<16384xi32, #tpu.memory_space<hbm>>) target(%arg8 : memref<16384xi32, #tpu.memory_space<vmem>>) target_semaphore(%run_scoped3A : memref<!tpu.dma_semaphore, #tpu.memory_space<semaphore_mem>>)
      %dma_wait3A = tpu.memref_slice %arg2[%arg0, %add3A_7] : memref<2x1048576xi32, #tpu.memory_space<hbm>> -> memref<1x16384xi32, #tpu.memory_space<hbm>>
      %dma_wait3A_28 = tpu.memref_squeeze %dma_wait3A : memref<1x16384xi32, #tpu.memory_space<hbm>> -> memref<16384xi32, #tpu.memory_space<hbm>>
      %dma_wait3A_29 = tpu.memref_slice %arg2[%arg0, %add3A_7] : memref<2x1048576xi32, #tpu.memory_space<hbm>> -> memref<1x16384xi32, #tpu.memory_space<hbm>>
      %dma_wait3A_30 = tpu.memref_squeeze %dma_wait3A_29 : memref<1x16384xi32, #tpu.memory_space<hbm>> -> memref<16384xi32, #tpu.memory_space<hbm>>
      tpu.wait_dma2 semaphore(%run_scoped3A : memref<!tpu.dma_semaphore, #tpu.memory_space<semaphore_mem>>) src(%dma_wait3A_30 : memref<16384xi32, #tpu.memory_space<hbm>>) dst(%arg8 : memref<16384xi32, #tpu.memory_space<vmem>>)
      tpu.yield
    }) : () -> ()
    "tpu.region"() ({
      %run_scoped3A = tpu.sem_alloc : memref<!tpu.dma_semaphore, #tpu.memory_space<semaphore_mem>>
      %dma_start3A = tpu.memref_slice %arg3[%add3A_7] : memref<1048576xf32, #tpu.memory_space<hbm>> -> memref<16384xf32, #tpu.memory_space<hbm>>
      %dma_start3A_25 = tpu.memref_slice %arg3[%add3A_7] : memref<1048576xf32, #tpu.memory_space<hbm>> -> memref<16384xf32, #tpu.memory_space<hbm>>
      tpu.enqueue_dma source(%dma_start3A_25 : memref<16384xf32, #tpu.memory_space<hbm>>) target(%arg9 : memref<16384xf32, #tpu.memory_space<vmem>>) target_semaphore(%run_scoped3A : memref<!tpu.dma_semaphore, #tpu.memory_space<semaphore_mem>>)
      %dma_wait3A = tpu.memref_slice %arg3[%add3A_7] : memref<1048576xf32, #tpu.memory_space<hbm>> -> memref<16384xf32, #tpu.memory_space<hbm>>
      %dma_wait3A_26 = tpu.memref_slice %arg3[%add3A_7] : memref<1048576xf32, #tpu.memory_space<hbm>> -> memref<16384xf32, #tpu.memory_space<hbm>>
      tpu.wait_dma2 semaphore(%run_scoped3A : memref<!tpu.dma_semaphore, #tpu.memory_space<semaphore_mem>>) src(%dma_wait3A_26 : memref<16384xf32, #tpu.memory_space<hbm>>) dst(%arg9 : memref<16384xf32, #tpu.memory_space<vmem>>)
      tpu.yield
    }) : () -> ()
    "tpu.region"() ({
      %run_scoped3A = tpu.sem_alloc : memref<!tpu.dma_semaphore, #tpu.memory_space<semaphore_mem>>
      %dma_start3A = arith.constant 0 : i32
      %dma_start3A_25 = tpu.memref_slice %arg11[%dma_start3A] : memref<1048584xf32, #tpu.memory_space<vmem_shared>> -> memref<1048584xf32, #tpu.memory_space<vmem_shared>>
      tpu.enqueue_indirect_dma source(%arg9 : memref<16384xf32, #tpu.memory_space<vmem>>) target(%dma_start3A_25 : memref<1048584xf32, #tpu.memory_space<vmem_shared>>) offsets(%arg8 : memref<16384xi32, #tpu.memory_space<vmem>>) semaphore(%run_scoped3A : memref<!tpu.dma_semaphore, #tpu.memory_space<semaphore_mem>>) {add = true}
      %dma_wait3A = arith.constant 0 : i32
      %dma_wait3A_26 = tpu.memref_slice %arg11[%dma_wait3A] : memref<1048584xf32, #tpu.memory_space<vmem_shared>> -> memref<1048584xf32, #tpu.memory_space<vmem_shared>>
      tpu.wait_indirect_dma semaphore(%run_scoped3A : memref<!tpu.dma_semaphore, #tpu.memory_space<semaphore_mem>>) src(%arg9 : memref<16384xf32, #tpu.memory_space<vmem>>) dst(%dma_wait3A_26 : memref<1048584xf32, #tpu.memory_space<vmem_shared>>)
      tpu.yield
    }) : () -> ()
    %add3A_8 = arith.constant 32768 : i32
    %add3A_9 = arith.addi %mul3A_4, %add3A_8 : i32
    "tpu.region"() ({
      %run_scoped3A = tpu.sem_alloc : memref<!tpu.dma_semaphore, #tpu.memory_space<semaphore_mem>>
      %dma_start3A = tpu.memref_slice %arg2[%arg0, %add3A_9] : memref<2x1048576xi32, #tpu.memory_space<hbm>> -> memref<1x16384xi32, #tpu.memory_space<hbm>>
      %dma_start3A_25 = tpu.memref_squeeze %dma_start3A : memref<1x16384xi32, #tpu.memory_space<hbm>> -> memref<16384xi32, #tpu.memory_space<hbm>>
      %dma_start3A_26 = tpu.memref_slice %arg2[%arg0, %add3A_9] : memref<2x1048576xi32, #tpu.memory_space<hbm>> -> memref<1x16384xi32, #tpu.memory_space<hbm>>
      %dma_start3A_27 = tpu.memref_squeeze %dma_start3A_26 : memref<1x16384xi32, #tpu.memory_space<hbm>> -> memref<16384xi32, #tpu.memory_space<hbm>>
      tpu.enqueue_dma source(%dma_start3A_27 : memref<16384xi32, #tpu.memory_space<hbm>>) target(%arg8 : memref<16384xi32, #tpu.memory_space<vmem>>) target_semaphore(%run_scoped3A : memref<!tpu.dma_semaphore, #tpu.memory_space<semaphore_mem>>)
      %dma_wait3A = tpu.memref_slice %arg2[%arg0, %add3A_9] : memref<2x1048576xi32, #tpu.memory_space<hbm>> -> memref<1x16384xi32, #tpu.memory_space<hbm>>
      %dma_wait3A_28 = tpu.memref_squeeze %dma_wait3A : memref<1x16384xi32, #tpu.memory_space<hbm>> -> memref<16384xi32, #tpu.memory_space<hbm>>
      %dma_wait3A_29 = tpu.memref_slice %arg2[%arg0, %add3A_9] : memref<2x1048576xi32, #tpu.memory_space<hbm>> -> memref<1x16384xi32, #tpu.memory_space<hbm>>
      %dma_wait3A_30 = tpu.memref_squeeze %dma_wait3A_29 : memref<1x16384xi32, #tpu.memory_space<hbm>> -> memref<16384xi32, #tpu.memory_space<hbm>>
      tpu.wait_dma2 semaphore(%run_scoped3A : memref<!tpu.dma_semaphore, #tpu.memory_space<semaphore_mem>>) src(%dma_wait3A_30 : memref<16384xi32, #tpu.memory_space<hbm>>) dst(%arg8 : memref<16384xi32, #tpu.memory_space<vmem>>)
      tpu.yield
    }) : () -> ()
    "tpu.region"() ({
      %run_scoped3A = tpu.sem_alloc : memref<!tpu.dma_semaphore, #tpu.memory_space<semaphore_mem>>
      %dma_start3A = tpu.memref_slice %arg3[%add3A_9] : memref<1048576xf32, #tpu.memory_space<hbm>> -> memref<16384xf32, #tpu.memory_space<hbm>>
      %dma_start3A_25 = tpu.memref_slice %arg3[%add3A_9] : memref<1048576xf32, #tpu.memory_space<hbm>> -> memref<16384xf32, #tpu.memory_space<hbm>>
      tpu.enqueue_dma source(%dma_start3A_25 : memref<16384xf32, #tpu.memory_space<hbm>>) target(%arg9 : memref<16384xf32, #tpu.memory_space<vmem>>) target_semaphore(%run_scoped3A : memref<!tpu.dma_semaphore, #tpu.memory_space<semaphore_mem>>)
      %dma_wait3A = tpu.memref_slice %arg3[%add3A_9] : memref<1048576xf32, #tpu.memory_space<hbm>> -> memref<16384xf32, #tpu.memory_space<hbm>>
      %dma_wait3A_26 = tpu.memref_slice %arg3[%add3A_9] : memref<1048576xf32, #tpu.memory_space<hbm>> -> memref<16384xf32, #tpu.memory_space<hbm>>
      tpu.wait_dma2 semaphore(%run_scoped3A : memref<!tpu.dma_semaphore, #tpu.memory_space<semaphore_mem>>) src(%dma_wait3A_26 : memref<16384xf32, #tpu.memory_space<hbm>>) dst(%arg9 : memref<16384xf32, #tpu.memory_space<vmem>>)
      tpu.yield
    }) : () -> ()
    "tpu.region"() ({
      %run_scoped3A = tpu.sem_alloc : memref<!tpu.dma_semaphore, #tpu.memory_space<semaphore_mem>>
      %dma_start3A = arith.constant 0 : i32
      %dma_start3A_25 = tpu.memref_slice %arg11[%dma_start3A] : memref<1048584xf32, #tpu.memory_space<vmem_shared>> -> memref<1048584xf32, #tpu.memory_space<vmem_shared>>
      tpu.enqueue_indirect_dma source(%arg9 : memref<16384xf32, #tpu.memory_space<vmem>>) target(%dma_start3A_25 : memref<1048584xf32, #tpu.memory_space<vmem_shared>>) offsets(%arg8 : memref<16384xi32, #tpu.memory_space<vmem>>) semaphore(%run_scoped3A : memref<!tpu.dma_semaphore, #tpu.memory_space<semaphore_mem>>) {add = true}
      %dma_wait3A = arith.constant 0 : i32
      %dma_wait3A_26 = tpu.memref_slice %arg11[%dma_wait3A] : memref<1048584xf32, #tpu.memory_space<vmem_shared>> -> memref<1048584xf32, #tpu.memory_space<vmem_shared>>
      tpu.wait_indirect_dma semaphore(%run_scoped3A : memref<!tpu.dma_semaphore, #tpu.memory_space<semaphore_mem>>) src(%arg9 : memref<16384xf32, #tpu.memory_space<vmem>>) dst(%dma_wait3A_26 : memref<1048584xf32, #tpu.memory_space<vmem_shared>>)
      tpu.yield
    }) : () -> ()
    %add3A_10 = arith.constant 49152 : i32
    %add3A_11 = arith.addi %mul3A_4, %add3A_10 : i32
    "tpu.region"() ({
      %run_scoped3A = tpu.sem_alloc : memref<!tpu.dma_semaphore, #tpu.memory_space<semaphore_mem>>
      %dma_start3A = tpu.memref_slice %arg2[%arg0, %add3A_11] : memref<2x1048576xi32, #tpu.memory_space<hbm>> -> memref<1x16384xi32, #tpu.memory_space<hbm>>
      %dma_start3A_25 = tpu.memref_squeeze %dma_start3A : memref<1x16384xi32, #tpu.memory_space<hbm>> -> memref<16384xi32, #tpu.memory_space<hbm>>
      %dma_start3A_26 = tpu.memref_slice %arg2[%arg0, %add3A_11] : memref<2x1048576xi32, #tpu.memory_space<hbm>> -> memref<1x16384xi32, #tpu.memory_space<hbm>>
      %dma_start3A_27 = tpu.memref_squeeze %dma_start3A_26 : memref<1x16384xi32, #tpu.memory_space<hbm>> -> memref<16384xi32, #tpu.memory_space<hbm>>
      tpu.enqueue_dma source(%dma_start3A_27 : memref<16384xi32, #tpu.memory_space<hbm>>) target(%arg8 : memref<16384xi32, #tpu.memory_space<vmem>>) target_semaphore(%run_scoped3A : memref<!tpu.dma_semaphore, #tpu.memory_space<semaphore_mem>>)
      %dma_wait3A = tpu.memref_slice %arg2[%arg0, %add3A_11] : memref<2x1048576xi32, #tpu.memory_space<hbm>> -> memref<1x16384xi32, #tpu.memory_space<hbm>>
      %dma_wait3A_28 = tpu.memref_squeeze %dma_wait3A : memref<1x16384xi32, #tpu.memory_space<hbm>> -> memref<16384xi32, #tpu.memory_space<hbm>>
      %dma_wait3A_29 = tpu.memref_slice %arg2[%arg0, %add3A_11] : memref<2x1048576xi32, #tpu.memory_space<hbm>> -> memref<1x16384xi32, #tpu.memory_space<hbm>>
      %dma_wait3A_30 = tpu.memref_squeeze %dma_wait3A_29 : memref<1x16384xi32, #tpu.memory_space<hbm>> -> memref<16384xi32, #tpu.memory_space<hbm>>
      tpu.wait_dma2 semaphore(%run_scoped3A : memref<!tpu.dma_semaphore, #tpu.memory_space<semaphore_mem>>) src(%dma_wait3A_30 : memref<16384xi32, #tpu.memory_space<hbm>>) dst(%arg8 : memref<16384xi32, #tpu.memory_space<vmem>>)
      tpu.yield
    }) : () -> ()
    "tpu.region"() ({
      %run_scoped3A = tpu.sem_alloc : memref<!tpu.dma_semaphore, #tpu.memory_space<semaphore_mem>>
      %dma_start3A = tpu.memref_slice %arg3[%add3A_11] : memref<1048576xf32, #tpu.memory_space<hbm>> -> memref<16384xf32, #tpu.memory_space<hbm>>
      %dma_start3A_25 = tpu.memref_slice %arg3[%add3A_11] : memref<1048576xf32, #tpu.memory_space<hbm>> -> memref<16384xf32, #tpu.memory_space<hbm>>
      tpu.enqueue_dma source(%dma_start3A_25 : memref<16384xf32, #tpu.memory_space<hbm>>) target(%arg9 : memref<16384xf32, #tpu.memory_space<vmem>>) target_semaphore(%run_scoped3A : memref<!tpu.dma_semaphore, #tpu.memory_space<semaphore_mem>>)
      %dma_wait3A = tpu.memref_slice %arg3[%add3A_11] : memref<1048576xf32, #tpu.memory_space<hbm>> -> memref<16384xf32, #tpu.memory_space<hbm>>
      %dma_wait3A_26 = tpu.memref_slice %arg3[%add3A_11] : memref<1048576xf32, #tpu.memory_space<hbm>> -> memref<16384xf32, #tpu.memory_space<hbm>>
      tpu.wait_dma2 semaphore(%run_scoped3A : memref<!tpu.dma_semaphore, #tpu.memory_space<semaphore_mem>>) src(%dma_wait3A_26 : memref<16384xf32, #tpu.memory_space<hbm>>) dst(%arg9 : memref<16384xf32, #tpu.memory_space<vmem>>)
      tpu.yield
    }) : () -> ()
    "tpu.region"() ({
      %run_scoped3A = tpu.sem_alloc : memref<!tpu.dma_semaphore, #tpu.memory_space<semaphore_mem>>
      %dma_start3A = arith.constant 0 : i32
      %dma_start3A_25 = tpu.memref_slice %arg11[%dma_start3A] : memref<1048584xf32, #tpu.memory_space<vmem_shared>> -> memref<1048584xf32, #tpu.memory_space<vmem_shared>>
      tpu.enqueue_indirect_dma source(%arg9 : memref<16384xf32, #tpu.memory_space<vmem>>) target(%dma_start3A_25 : memref<1048584xf32, #tpu.memory_space<vmem_shared>>) offsets(%arg8 : memref<16384xi32, #tpu.memory_space<vmem>>) semaphore(%run_scoped3A : memref<!tpu.dma_semaphore, #tpu.memory_space<semaphore_mem>>) {add = true}
      %dma_wait3A = arith.constant 0 : i32
      %dma_wait3A_26 = tpu.memref_slice %arg11[%dma_wait3A] : memref<1048584xf32, #tpu.memory_space<vmem_shared>> -> memref<1048584xf32, #tpu.memory_space<vmem_shared>>
      tpu.wait_indirect_dma semaphore(%run_scoped3A : memref<!tpu.dma_semaphore, #tpu.memory_space<semaphore_mem>>) src(%arg9 : memref<16384xf32, #tpu.memory_space<vmem>>) dst(%dma_wait3A_26 : memref<1048584xf32, #tpu.memory_space<vmem_shared>>)
      tpu.yield
    }) : () -> ()
    %barrier3A_12 = arith.constant 0 : index
    tpu.barrier barrier_id(%barrier3A_12)
    %add3A_13 = arith.addi %mul3A_0, %mul3A_2 : i32
    "tpu.region"() ({
      %run_scoped3A = tpu.sem_alloc : memref<!tpu.dma_semaphore, #tpu.memory_space<semaphore_mem>>
      %dma_start3A = tpu.memref_slice %arg6[%add3A_13] : memref<2097152xf32, #tpu.memory_space<hbm>> -> memref<65536xf32, #tpu.memory_space<hbm>>
      %dma_start3A_25 = tpu.memref_slice %arg11[%mul3A_2] : memref<1048584xf32, #tpu.memory_space<vmem_shared>> -> memref<65536xf32, #tpu.memory_space<vmem_shared>>
      tpu.enqueue_dma source(%dma_start3A_25 : memref<65536xf32, #tpu.memory_space<vmem_shared>>) target(%dma_start3A : memref<65536xf32, #tpu.memory_space<hbm>>) target_semaphore(%run_scoped3A : memref<!tpu.dma_semaphore, #tpu.memory_space<semaphore_mem>>)
      %dma_wait3A = tpu.memref_slice %arg6[%add3A_13] : memref<2097152xf32, #tpu.memory_space<hbm>> -> memref<65536xf32, #tpu.memory_space<hbm>>
      %dma_wait3A_26 = tpu.memref_slice %arg11[%mul3A_2] : memref<1048584xf32, #tpu.memory_space<vmem_shared>> -> memref<65536xf32, #tpu.memory_space<vmem_shared>>
      tpu.wait_dma2 semaphore(%run_scoped3A : memref<!tpu.dma_semaphore, #tpu.memory_space<semaphore_mem>>) src(%dma_wait3A_26 : memref<65536xf32, #tpu.memory_space<vmem_shared>>) dst(%dma_wait3A : memref<65536xf32, #tpu.memory_space<hbm>>)
      tpu.yield
    }) : () -> ()
    "tpu.region"() ({
      %run_scoped3A = tpu.sem_alloc : memref<!tpu.dma_semaphore, #tpu.memory_space<semaphore_mem>>
      %dma_start3A = tpu.memref_slice %arg11[%mul3A_2] : memref<1048584xf32, #tpu.memory_space<vmem_shared>> -> memref<65536xf32, #tpu.memory_space<vmem_shared>>
      %dma_start3A_25 = tpu.memref_slice %arg5[%mul3A_2] : memref<1048576xf32, #tpu.memory_space<hbm>> -> memref<65536xf32, #tpu.memory_space<hbm>>
      tpu.enqueue_dma source(%dma_start3A_25 : memref<65536xf32, #tpu.memory_space<hbm>>) target(%dma_start3A : memref<65536xf32, #tpu.memory_space<vmem_shared>>) target_semaphore(%run_scoped3A : memref<!tpu.dma_semaphore, #tpu.memory_space<semaphore_mem>>)
      %dma_wait3A = tpu.memref_slice %arg11[%mul3A_2] : memref<1048584xf32, #tpu.memory_space<vmem_shared>> -> memref<65536xf32, #tpu.memory_space<vmem_shared>>
      %dma_wait3A_26 = tpu.memref_slice %arg5[%mul3A_2] : memref<1048576xf32, #tpu.memory_space<hbm>> -> memref<65536xf32, #tpu.memory_space<hbm>>
      tpu.wait_dma2 semaphore(%run_scoped3A : memref<!tpu.dma_semaphore, #tpu.memory_space<semaphore_mem>>) src(%dma_wait3A_26 : memref<65536xf32, #tpu.memory_space<hbm>>) dst(%dma_wait3A : memref<65536xf32, #tpu.memory_space<vmem_shared>>)
      tpu.yield
    }) : () -> ()
    %barrier3A_14 = arith.constant 0 : index
    tpu.barrier barrier_id(%barrier3A_14)
    %add3A_15 = arith.constant 0 : i32
    %add3A_16 = arith.addi %mul3A_4, %add3A_15 : i32
    "tpu.region"() ({
      %run_scoped3A = tpu.sem_alloc : memref<!tpu.dma_semaphore, #tpu.memory_space<semaphore_mem>>
      %dma_start3A = tpu.memref_slice %arg2[%arg0, %add3A_16] : memref<2x1048576xi32, #tpu.memory_space<hbm>> -> memref<1x16384xi32, #tpu.memory_space<hbm>>
      %dma_start3A_25 = tpu.memref_squeeze %dma_start3A : memref<1x16384xi32, #tpu.memory_space<hbm>> -> memref<16384xi32, #tpu.memory_space<hbm>>
      %dma_start3A_26 = tpu.memref_slice %arg2[%arg0, %add3A_16] : memref<2x1048576xi32, #tpu.memory_space<hbm>> -> memref<1x16384xi32, #tpu.memory_space<hbm>>
      %dma_start3A_27 = tpu.memref_squeeze %dma_start3A_26 : memref<1x16384xi32, #tpu.memory_space<hbm>> -> memref<16384xi32, #tpu.memory_space<hbm>>
      tpu.enqueue_dma source(%dma_start3A_27 : memref<16384xi32, #tpu.memory_space<hbm>>) target(%arg8 : memref<16384xi32, #tpu.memory_space<vmem>>) target_semaphore(%run_scoped3A : memref<!tpu.dma_semaphore, #tpu.memory_space<semaphore_mem>>)
      %dma_wait3A = tpu.memref_slice %arg2[%arg0, %add3A_16] : memref<2x1048576xi32, #tpu.memory_space<hbm>> -> memref<1x16384xi32, #tpu.memory_space<hbm>>
      %dma_wait3A_28 = tpu.memref_squeeze %dma_wait3A : memref<1x16384xi32, #tpu.memory_space<hbm>> -> memref<16384xi32, #tpu.memory_space<hbm>>
      %dma_wait3A_29 = tpu.memref_slice %arg2[%arg0, %add3A_16] : memref<2x1048576xi32, #tpu.memory_space<hbm>> -> memref<1x16384xi32, #tpu.memory_space<hbm>>
      %dma_wait3A_30 = tpu.memref_squeeze %dma_wait3A_29 : memref<1x16384xi32, #tpu.memory_space<hbm>> -> memref<16384xi32, #tpu.memory_space<hbm>>
      tpu.wait_dma2 semaphore(%run_scoped3A : memref<!tpu.dma_semaphore, #tpu.memory_space<semaphore_mem>>) src(%dma_wait3A_30 : memref<16384xi32, #tpu.memory_space<hbm>>) dst(%arg8 : memref<16384xi32, #tpu.memory_space<vmem>>)
      tpu.yield
    }) : () -> ()
    "tpu.region"() ({
      %run_scoped3A = tpu.sem_alloc : memref<!tpu.dma_semaphore, #tpu.memory_space<semaphore_mem>>
      %dma_start3A = arith.constant 0 : i32
      %dma_start3A_25 = tpu.memref_slice %arg11[%dma_start3A] : memref<1048584xf32, #tpu.memory_space<vmem_shared>> -> memref<1048584xf32, #tpu.memory_space<vmem_shared>>
      tpu.enqueue_indirect_dma source(%arg10 : memref<16384xf32, #tpu.memory_space<vmem>>) target(%dma_start3A_25 : memref<1048584xf32, #tpu.memory_space<vmem_shared>>) offsets(%arg8 : memref<16384xi32, #tpu.memory_space<vmem>>) semaphore(%run_scoped3A : memref<!tpu.dma_semaphore, #tpu.memory_space<semaphore_mem>>) {add = true}
      %dma_wait3A = arith.constant 0 : i32
      %dma_wait3A_26 = tpu.memref_slice %arg11[%dma_wait3A] : memref<1048584xf32, #tpu.memory_space<vmem_shared>> -> memref<1048584xf32, #tpu.memory_space<vmem_shared>>
      tpu.wait_indirect_dma semaphore(%run_scoped3A : memref<!tpu.dma_semaphore, #tpu.memory_space<semaphore_mem>>) src(%arg10 : memref<16384xf32, #tpu.memory_space<vmem>>) dst(%dma_wait3A_26 : memref<1048584xf32, #tpu.memory_space<vmem_shared>>)
      tpu.yield
    }) : () -> ()
    %add3A_17 = arith.constant 16384 : i32
    %add3A_18 = arith.addi %mul3A_4, %add3A_17 : i32
    "tpu.region"() ({
      %run_scoped3A = tpu.sem_alloc : memref<!tpu.dma_semaphore, #tpu.memory_space<semaphore_mem>>
      %dma_start3A = tpu.memref_slice %arg2[%arg0, %add3A_18] : memref<2x1048576xi32, #tpu.memory_space<hbm>> -> memref<1x16384xi32, #tpu.memory_space<hbm>>
      %dma_start3A_25 = tpu.memref_squeeze %dma_start3A : memref<1x16384xi32, #tpu.memory_space<hbm>> -> memref<16384xi32, #tpu.memory_space<hbm>>
      %dma_start3A_26 = tpu.memref_slice %arg2[%arg0, %add3A_18] : memref<2x1048576xi32, #tpu.memory_space<hbm>> -> memref<1x16384xi32, #tpu.memory_space<hbm>>
      %dma_start3A_27 = tpu.memref_squeeze %dma_start3A_26 : memref<1x16384xi32, #tpu.memory_space<hbm>> -> memref<16384xi32, #tpu.memory_space<hbm>>
      tpu.enqueue_dma source(%dma_start3A_27 : memref<16384xi32, #tpu.memory_space<hbm>>) target(%arg8 : memref<16384xi32, #tpu.memory_space<vmem>>) target_semaphore(%run_scoped3A : memref<!tpu.dma_semaphore, #tpu.memory_space<semaphore_mem>>)
      %dma_wait3A = tpu.memref_slice %arg2[%arg0, %add3A_18] : memref<2x1048576xi32, #tpu.memory_space<hbm>> -> memref<1x16384xi32, #tpu.memory_space<hbm>>
      %dma_wait3A_28 = tpu.memref_squeeze %dma_wait3A : memref<1x16384xi32, #tpu.memory_space<hbm>> -> memref<16384xi32, #tpu.memory_space<hbm>>
      %dma_wait3A_29 = tpu.memref_slice %arg2[%arg0, %add3A_18] : memref<2x1048576xi32, #tpu.memory_space<hbm>> -> memref<1x16384xi32, #tpu.memory_space<hbm>>
      %dma_wait3A_30 = tpu.memref_squeeze %dma_wait3A_29 : memref<1x16384xi32, #tpu.memory_space<hbm>> -> memref<16384xi32, #tpu.memory_space<hbm>>
      tpu.wait_dma2 semaphore(%run_scoped3A : memref<!tpu.dma_semaphore, #tpu.memory_space<semaphore_mem>>) src(%dma_wait3A_30 : memref<16384xi32, #tpu.memory_space<hbm>>) dst(%arg8 : memref<16384xi32, #tpu.memory_space<vmem>>)
      tpu.yield
    }) : () -> ()
    "tpu.region"() ({
      %run_scoped3A = tpu.sem_alloc : memref<!tpu.dma_semaphore, #tpu.memory_space<semaphore_mem>>
      %dma_start3A = arith.constant 0 : i32
      %dma_start3A_25 = tpu.memref_slice %arg11[%dma_start3A] : memref<1048584xf32, #tpu.memory_space<vmem_shared>> -> memref<1048584xf32, #tpu.memory_space<vmem_shared>>
      tpu.enqueue_indirect_dma source(%arg10 : memref<16384xf32, #tpu.memory_space<vmem>>) target(%dma_start3A_25 : memref<1048584xf32, #tpu.memory_space<vmem_shared>>) offsets(%arg8 : memref<16384xi32, #tpu.memory_space<vmem>>) semaphore(%run_scoped3A : memref<!tpu.dma_semaphore, #tpu.memory_space<semaphore_mem>>) {add = true}
      %dma_wait3A = arith.constant 0 : i32
      %dma_wait3A_26 = tpu.memref_slice %arg11[%dma_wait3A] : memref<1048584xf32, #tpu.memory_space<vmem_shared>> -> memref<1048584xf32, #tpu.memory_space<vmem_shared>>
      tpu.wait_indirect_dma semaphore(%run_scoped3A : memref<!tpu.dma_semaphore, #tpu.memory_space<semaphore_mem>>) src(%arg10 : memref<16384xf32, #tpu.memory_space<vmem>>) dst(%dma_wait3A_26 : memref<1048584xf32, #tpu.memory_space<vmem_shared>>)
      tpu.yield
    }) : () -> ()
    %add3A_19 = arith.constant 32768 : i32
    %add3A_20 = arith.addi %mul3A_4, %add3A_19 : i32
    "tpu.region"() ({
      %run_scoped3A = tpu.sem_alloc : memref<!tpu.dma_semaphore, #tpu.memory_space<semaphore_mem>>
      %dma_start3A = tpu.memref_slice %arg2[%arg0, %add3A_20] : memref<2x1048576xi32, #tpu.memory_space<hbm>> -> memref<1x16384xi32, #tpu.memory_space<hbm>>
      %dma_start3A_25 = tpu.memref_squeeze %dma_start3A : memref<1x16384xi32, #tpu.memory_space<hbm>> -> memref<16384xi32, #tpu.memory_space<hbm>>
      %dma_start3A_26 = tpu.memref_slice %arg2[%arg0, %add3A_20] : memref<2x1048576xi32, #tpu.memory_space<hbm>> -> memref<1x16384xi32, #tpu.memory_space<hbm>>
      %dma_start3A_27 = tpu.memref_squeeze %dma_start3A_26 : memref<1x16384xi32, #tpu.memory_space<hbm>> -> memref<16384xi32, #tpu.memory_space<hbm>>
      tpu.enqueue_dma source(%dma_start3A_27 : memref<16384xi32, #tpu.memory_space<hbm>>) target(%arg8 : memref<16384xi32, #tpu.memory_space<vmem>>) target_semaphore(%run_scoped3A : memref<!tpu.dma_semaphore, #tpu.memory_space<semaphore_mem>>)
      %dma_wait3A = tpu.memref_slice %arg2[%arg0, %add3A_20] : memref<2x1048576xi32, #tpu.memory_space<hbm>> -> memref<1x16384xi32, #tpu.memory_space<hbm>>
      %dma_wait3A_28 = tpu.memref_squeeze %dma_wait3A : memref<1x16384xi32, #tpu.memory_space<hbm>> -> memref<16384xi32, #tpu.memory_space<hbm>>
      %dma_wait3A_29 = tpu.memref_slice %arg2[%arg0, %add3A_20] : memref<2x1048576xi32, #tpu.memory_space<hbm>> -> memref<1x16384xi32, #tpu.memory_space<hbm>>
      %dma_wait3A_30 = tpu.memref_squeeze %dma_wait3A_29 : memref<1x16384xi32, #tpu.memory_space<hbm>> -> memref<16384xi32, #tpu.memory_space<hbm>>
      tpu.wait_dma2 semaphore(%run_scoped3A : memref<!tpu.dma_semaphore, #tpu.memory_space<semaphore_mem>>) src(%dma_wait3A_30 : memref<16384xi32, #tpu.memory_space<hbm>>) dst(%arg8 : memref<16384xi32, #tpu.memory_space<vmem>>)
      tpu.yield
    }) : () -> ()
    "tpu.region"() ({
      %run_scoped3A = tpu.sem_alloc : memref<!tpu.dma_semaphore, #tpu.memory_space<semaphore_mem>>
      %dma_start3A = arith.constant 0 : i32
      %dma_start3A_25 = tpu.memref_slice %arg11[%dma_start3A] : memref<1048584xf32, #tpu.memory_space<vmem_shared>> -> memref<1048584xf32, #tpu.memory_space<vmem_shared>>
      tpu.enqueue_indirect_dma source(%arg10 : memref<16384xf32, #tpu.memory_space<vmem>>) target(%dma_start3A_25 : memref<1048584xf32, #tpu.memory_space<vmem_shared>>) offsets(%arg8 : memref<16384xi32, #tpu.memory_space<vmem>>) semaphore(%run_scoped3A : memref<!tpu.dma_semaphore, #tpu.memory_space<semaphore_mem>>) {add = true}
      %dma_wait3A = arith.constant 0 : i32
      %dma_wait3A_26 = tpu.memref_slice %arg11[%dma_wait3A] : memref<1048584xf32, #tpu.memory_space<vmem_shared>> -> memref<1048584xf32, #tpu.memory_space<vmem_shared>>
      tpu.wait_indirect_dma semaphore(%run_scoped3A : memref<!tpu.dma_semaphore, #tpu.memory_space<semaphore_mem>>) src(%arg10 : memref<16384xf32, #tpu.memory_space<vmem>>) dst(%dma_wait3A_26 : memref<1048584xf32, #tpu.memory_space<vmem_shared>>)
      tpu.yield
    }) : () -> ()
    %add3A_21 = arith.constant 49152 : i32
    %add3A_22 = arith.addi %mul3A_4, %add3A_21 : i32
    "tpu.region"() ({
      %run_scoped3A = tpu.sem_alloc : memref<!tpu.dma_semaphore, #tpu.memory_space<semaphore_mem>>
      %dma_start3A = tpu.memref_slice %arg2[%arg0, %add3A_22] : memref<2x1048576xi32, #tpu.memory_space<hbm>> -> memref<1x16384xi32, #tpu.memory_space<hbm>>
      %dma_start3A_25 = tpu.memref_squeeze %dma_start3A : memref<1x16384xi32, #tpu.memory_space<hbm>> -> memref<16384xi32, #tpu.memory_space<hbm>>
      %dma_start3A_26 = tpu.memref_slice %arg2[%arg0, %add3A_22] : memref<2x1048576xi32, #tpu.memory_space<hbm>> -> memref<1x16384xi32, #tpu.memory_space<hbm>>
      %dma_start3A_27 = tpu.memref_squeeze %dma_start3A_26 : memref<1x16384xi32, #tpu.memory_space<hbm>> -> memref<16384xi32, #tpu.memory_space<hbm>>
      tpu.enqueue_dma source(%dma_start3A_27 : memref<16384xi32, #tpu.memory_space<hbm>>) target(%arg8 : memref<16384xi32, #tpu.memory_space<vmem>>) target_semaphore(%run_scoped3A : memref<!tpu.dma_semaphore, #tpu.memory_space<semaphore_mem>>)
      %dma_wait3A = tpu.memref_slice %arg2[%arg0, %add3A_22] : memref<2x1048576xi32, #tpu.memory_space<hbm>> -> memref<1x16384xi32, #tpu.memory_space<hbm>>
      %dma_wait3A_28 = tpu.memref_squeeze %dma_wait3A : memref<1x16384xi32, #tpu.memory_space<hbm>> -> memref<16384xi32, #tpu.memory_space<hbm>>
      %dma_wait3A_29 = tpu.memref_slice %arg2[%arg0, %add3A_22] : memref<2x1048576xi32, #tpu.memory_space<hbm>> -> memref<1x16384xi32, #tpu.memory_space<hbm>>
      %dma_wait3A_30 = tpu.memref_squeeze %dma_wait3A_29 : memref<1x16384xi32, #tpu.memory_space<hbm>> -> memref<16384xi32, #tpu.memory_space<hbm>>
      tpu.wait_dma2 semaphore(%run_scoped3A : memref<!tpu.dma_semaphore, #tpu.memory_space<semaphore_mem>>) src(%dma_wait3A_30 : memref<16384xi32, #tpu.memory_space<hbm>>) dst(%arg8 : memref<16384xi32, #tpu.memory_space<vmem>>)
      tpu.yield
    }) : () -> ()
    "tpu.region"() ({
      %run_scoped3A = tpu.sem_alloc : memref<!tpu.dma_semaphore, #tpu.memory_space<semaphore_mem>>
      %dma_start3A = arith.constant 0 : i32
      %dma_start3A_25 = tpu.memref_slice %arg11[%dma_start3A] : memref<1048584xf32, #tpu.memory_space<vmem_shared>> -> memref<1048584xf32, #tpu.memory_space<vmem_shared>>
      tpu.enqueue_indirect_dma source(%arg10 : memref<16384xf32, #tpu.memory_space<vmem>>) target(%dma_start3A_25 : memref<1048584xf32, #tpu.memory_space<vmem_shared>>) offsets(%arg8 : memref<16384xi32, #tpu.memory_space<vmem>>) semaphore(%run_scoped3A : memref<!tpu.dma_semaphore, #tpu.memory_space<semaphore_mem>>) {add = true}
      %dma_wait3A = arith.constant 0 : i32
      %dma_wait3A_26 = tpu.memref_slice %arg11[%dma_wait3A] : memref<1048584xf32, #tpu.memory_space<vmem_shared>> -> memref<1048584xf32, #tpu.memory_space<vmem_shared>>
      tpu.wait_indirect_dma semaphore(%run_scoped3A : memref<!tpu.dma_semaphore, #tpu.memory_space<semaphore_mem>>) src(%arg10 : memref<16384xf32, #tpu.memory_space<vmem>>) dst(%dma_wait3A_26 : memref<1048584xf32, #tpu.memory_space<vmem_shared>>)
      tpu.yield
    }) : () -> ()
    %barrier3A_23 = arith.constant 0 : index
    tpu.barrier barrier_id(%barrier3A_23)
    %add3A_24 = arith.addi %mul3A_0, %mul3A_2 : i32
    "tpu.region"() ({
      %run_scoped3A = tpu.sem_alloc : memref<!tpu.dma_semaphore, #tpu.memory_space<semaphore_mem>>
      %dma_start3A = tpu.memref_slice %arg7[%add3A_24] : memref<2097152xf32, #tpu.memory_space<hbm>> -> memref<65536xf32, #tpu.memory_space<hbm>>
      %dma_start3A_25 = tpu.memref_slice %arg11[%mul3A_2] : memref<1048584xf32, #tpu.memory_space<vmem_shared>> -> memref<65536xf32, #tpu.memory_space<vmem_shared>>
      tpu.enqueue_dma source(%dma_start3A_25 : memref<65536xf32, #tpu.memory_space<vmem_shared>>) target(%dma_start3A : memref<65536xf32, #tpu.memory_space<hbm>>) target_semaphore(%run_scoped3A : memref<!tpu.dma_semaphore, #tpu.memory_space<semaphore_mem>>)
      %dma_wait3A = tpu.memref_slice %arg7[%add3A_24] : memref<2097152xf32, #tpu.memory_space<hbm>> -> memref<65536xf32, #tpu.memory_space<hbm>>
      %dma_wait3A_26 = tpu.memref_slice %arg11[%mul3A_2] : memref<1048584xf32, #tpu.memory_space<vmem_shared>> -> memref<65536xf32, #tpu.memory_space<vmem_shared>>
      tpu.wait_dma2 semaphore(%run_scoped3A : memref<!tpu.dma_semaphore, #tpu.memory_space<semaphore_mem>>) src(%dma_wait3A_26 : memref<65536xf32, #tpu.memory_space<vmem_shared>>) dst(%dma_wait3A : memref<65536xf32, #tpu.memory_space<hbm>>)
      tpu.yield
    }) : () -> ()
    return
  }
}

module attributes {stable_mosaic.version = 14 : i64} {
  func.func @_lambda_(%arg0: i32, %arg1: memref<3x65536xf32, #tpu.memory_space<vmem>>, %arg2: memref<3x1xf32, #tpu.memory_space<vmem>>, %arg3: memref<3x1xf32, #tpu.memory_space<vmem>>, %arg4: memref<2x65536xi32, #tpu.memory_space<vmem>>) attributes {dimension_semantics = [#tpu.dimension_semantics<arbitrary>], iteration_bounds = array<i64: 16>, scalar_prefetch = 0 : i64, scratch_operands = 0 : i64, tpu.core_type = #tpu.core_type<tc>, window_params = [{transform_indices = @transform_0, window_bounds = array<i64: 3, 65536>}, {pipeline_mode = #tpu.pipeline_mode<synchronous>, transform_indices = @transform_1, window_bounds = array<i64: 3, 1>}, {pipeline_mode = #tpu.pipeline_mode<synchronous>, transform_indices = @transform_2, window_bounds = array<i64: 3, 1>}, {transform_indices = @transform_3, window_bounds = array<i64: 2, 65536>}]} {
    %get3A = arith.constant 0 : index
    %get3A_0 = arith.constant 0 : index
    %get3A_1 = vector.load %arg1[%get3A, %get3A_0] : memref<3x65536xf32, #tpu.memory_space<vmem>>, vector<3x65536xf32>
    %get3A_2 = arith.constant 0 : index
    %get3A_3 = arith.constant 0 : index
    %get3A_4 = vector.load %arg2[%get3A_2, %get3A_3] : memref<3x1xf32, #tpu.memory_space<vmem>>, vector<3x1xf32>
    %get3A_5 = arith.constant 0 : index
    %get3A_6 = arith.constant 0 : index
    %get3A_7 = vector.load %arg3[%get3A_5, %get3A_6] : memref<3x1xf32, #tpu.memory_space<vmem>>, vector<3x1xf32>
    %sub3A = vector.broadcast %get3A_4 : vector<3x1xf32> to vector<3x65536xf32>
    %sub3A_8 = arith.subf %get3A_1, %sub3A : vector<3x65536xf32>
    %sub3A_9 = arith.subf %get3A_7, %get3A_4 : vector<3x1xf32>
    %div3A = vector.broadcast %sub3A_9 : vector<3x1xf32> to vector<3x65536xf32>
    %div3A_10 = arith.divf %sub3A_8, %div3A : vector<3x65536xf32>
    %jit3A = arith.constant 0.000000e+00 : f32
    %jit3A_11 = arith.constant 1.000000e+00 : f32
    %max3A = vector.broadcast %jit3A : f32 to vector<3x65536xf32>
    %max3A_12 = arith.maximumf %max3A, %div3A_10 : vector<3x65536xf32>
    %min3A = vector.broadcast %jit3A_11 : f32 to vector<3x65536xf32>
    %min3A_13 = arith.minimumf %min3A, %max3A_12 : vector<3x65536xf32>
    %mul3A = arith.constant 1.280000e+02 : f32
    %mul3A_14 = vector.broadcast %mul3A : f32 to vector<3x65536xf32>
    %mul3A_15 = arith.mulf %min3A_13, %mul3A_14 : vector<3x65536xf32>
    %convert_element_type3A = arith.fptosi %mul3A_15 : vector<3x65536xf32> to vector<3x65536xi32>
    %jit3A_16 = arith.constant 0 : i32
    %jit3A_17 = arith.constant 127 : i32
    %max3A_18 = vector.broadcast %jit3A_16 : i32 to vector<3x65536xi32>
    %max3A_19 = arith.maxsi %max3A_18, %convert_element_type3A : vector<3x65536xi32>
    %min3A_20 = vector.broadcast %jit3A_17 : i32 to vector<3x65536xi32>
    %min3A_21 = arith.minsi %min3A_20, %max3A_19 : vector<3x65536xi32>
    %slice3A = vector.extract_strided_slice %min3A_21 {offsets = [0, 0], sizes = [1, 65536], strides = [1, 1]} : vector<3x65536xi32> to vector<1x65536xi32>
    %mul3A_22 = arith.constant 16384 : i32
    %mul3A_23 = vector.broadcast %mul3A_22 : i32 to vector<1x65536xi32>
    %mul3A_24 = arith.muli %slice3A, %mul3A_23 : vector<1x65536xi32>
    %slice3A_25 = vector.extract_strided_slice %min3A_21 {offsets = [1, 0], sizes = [1, 65536], strides = [1, 1]} : vector<3x65536xi32> to vector<1x65536xi32>
    %mul3A_26 = arith.constant 128 : i32
    %mul3A_27 = vector.broadcast %mul3A_26 : i32 to vector<1x65536xi32>
    %mul3A_28 = arith.muli %slice3A_25, %mul3A_27 : vector<1x65536xi32>
    %add3A = arith.addi %mul3A_24, %mul3A_28 : vector<1x65536xi32>
    %slice3A_29 = vector.extract_strided_slice %min3A_21 {offsets = [2, 0], sizes = [1, 65536], strides = [1, 1]} : vector<3x65536xi32> to vector<1x65536xi32>
    %add3A_30 = arith.addi %add3A, %slice3A_29 : vector<1x65536xi32>
    %iota3A = tpu.iota {dimensions = array<i32: 1>} : vector<1x65536xi32>
    %mul3A_31 = arith.constant 65536 : i32
    %mul3A_32 = arith.muli %arg0, %mul3A_31 : i32
    %add3A_33 = vector.broadcast %mul3A_32 : i32 to vector<1x65536xi32>
    %add3A_34 = arith.addi %iota3A, %add3A_33 : vector<1x65536xi32>
    %lt3A = arith.constant 1000000 : i32
    %lt3A_35 = vector.broadcast %lt3A : i32 to vector<1x65536xi32>
    %lt3A_36 = arith.cmpi slt, %add3A_34, %lt3A_35 : vector<1x65536xi32>
    %min3A_37 = arith.constant 1048576 : i32
    %min3A_38 = vector.broadcast %min3A_37 : i32 to vector<1x65536xi32>
    %min3A_39 = arith.minsi %add3A_30, %min3A_38 : vector<1x65536xi32>
    %jit3A_40 = arith.constant 1048576 : i32
    %broadcast_in_dim3A = vector.broadcast %jit3A_40 : i32 to vector<1x65536xi32>
    %select_n3A = arith.select %lt3A_36, %min3A_39, %broadcast_in_dim3A : vector<1x65536xi1>, vector<1x65536xi32>
    %ge3A = arith.constant 1048576 : i32
    %ge3A_41 = vector.broadcast %ge3A : i32 to vector<1x65536xi32>
    %ge3A_42 = arith.cmpi sge, %add3A_30, %ge3A_41 : vector<1x65536xi32>
    %and3A = arith.andi %lt3A_36, %ge3A_42 : vector<1x65536xi1>
    %sub3A_43 = arith.constant 1048576 : i32
    %sub3A_44 = vector.broadcast %sub3A_43 : i32 to vector<1x65536xi32>
    %sub3A_45 = arith.subi %add3A_30, %sub3A_44 : vector<1x65536xi32>
    %jit3A_46 = arith.constant 1048576 : i32
    %broadcast_in_dim3A_47 = vector.broadcast %jit3A_46 : i32 to vector<1x65536xi32>
    %select_n3A_48 = arith.select %and3A, %sub3A_45, %broadcast_in_dim3A_47 : vector<1x65536xi1>, vector<1x65536xi32>
    %concatenate3A = tpu.concatenate %select_n3A, %select_n3A_48 in 0 : vector<1x65536xi32>, vector<1x65536xi32> -> vector<2x65536xi32>
    %swap3A = arith.constant 0 : index
    %swap3A_49 = arith.constant 0 : index
    %swap3A_50 = vector.load %arg4[%swap3A, %swap3A_49] : memref<2x65536xi32, #tpu.memory_space<vmem>>, vector<2x65536xi32>
    tpu.vector_store %arg4[%swap3A, %swap3A_49], %concatenate3A {strides = array<i32>} : memref<2x65536xi32, #tpu.memory_space<vmem>>, vector<2x65536xi32>,
    return
  }
  func.func @transform_0(%arg0: i32) -> (i32, i32) {
    %c0_i32 = arith.constant 0 : i32
    %c0_i32_0 = arith.constant 0 : i32
    return %c0_i32, %arg0 : i32, i32
  }
  func.func @transform_1(%arg0: i32) -> (i32, i32) {
    %c0_i32 = arith.constant 0 : i32
    %c0_i32_0 = arith.constant 0 : i32
    %c0_i32_1 = arith.constant 0 : i32
    return %c0_i32, %c0_i32_0 : i32, i32
  }
  func.func @transform_2(%arg0: i32) -> (i32, i32) {
    %c0_i32 = arith.constant 0 : i32
    %c0_i32_0 = arith.constant 0 : i32
    %c0_i32_1 = arith.constant 0 : i32
    return %c0_i32, %c0_i32_0 : i32, i32
  }
  func.func @transform_3(%arg0: i32) -> (i32, i32) {
    %c0_i32 = arith.constant 0 : i32
    %c0_i32_0 = arith.constant 0 : i32
    return %c0_i32, %arg0 : i32, i32
  }
}

module attributes {stable_mosaic.version = 14 : i64} {
  func.func @_ema_body(%arg0: i32, %arg1: memref<256x1024xf32, #tpu.memory_space<vmem>>, %arg2: memref<256x1024xf32, #tpu.memory_space<vmem>>, %arg3: memref<256x1024xf32, #tpu.memory_space<vmem>>, %arg4: memref<256x1024xf32, #tpu.memory_space<vmem>>) attributes {dimension_semantics = [#tpu.dimension_semantics<arbitrary>], iteration_bounds = array<i64: 8>, scalar_prefetch = 0 : i64, scratch_operands = 0 : i64, tpu.core_type = #tpu.core_type<tc>, window_params = [{transform_indices = @transform_0, window_bounds = array<i64: 256, 1024>}, {transform_indices = @transform_1, window_bounds = array<i64: 256, 1024>}, {transform_indices = @transform_2, window_bounds = array<i64: 256, 1024>}, {transform_indices = @transform_3, window_bounds = array<i64: 256, 1024>}]} {
    %get3A = arith.constant 0 : index
    %get3A_0 = arith.constant 0 : index
    %get3A_1 = vector.load %arg1[%get3A, %get3A_0] : memref<256x1024xf32, #tpu.memory_space<vmem>>, vector<256x1024xf32>
    %get3A_2 = arith.constant 0 : index
    %get3A_3 = arith.constant 0 : index
    %get3A_4 = vector.load %arg2[%get3A_2, %get3A_3] : memref<256x1024xf32, #tpu.memory_space<vmem>>, vector<256x1024xf32>
    %get3A_5 = arith.constant 0 : index
    %get3A_6 = arith.constant 0 : index
    %get3A_7 = vector.load %arg3[%get3A_5, %get3A_6] : memref<256x1024xf32, #tpu.memory_space<vmem>>, vector<256x1024xf32>
    %gt3A = arith.constant 0.000000e+00 : f32
    %gt3A_8 = vector.broadcast %gt3A : f32 to vector<256x1024xf32>
    %gt3A_9 = arith.cmpf ogt, %get3A_7, %gt3A_8 : vector<256x1024xf32>
    %gt3A_10 = arith.constant 0.000000e+00 : f32
    %gt3A_11 = vector.broadcast %gt3A_10 : f32 to vector<256x1024xf32>
    %gt3A_12 = arith.cmpf ogt, %get3A_7, %gt3A_11 : vector<256x1024xf32>
    %jit3A = arith.constant 1.000000e+00 : f32
    %broadcast_in_dim3A = vector.broadcast %jit3A : f32 to vector<256x1024xf32>
    %select_n3A = arith.select %gt3A_12, %get3A_7, %broadcast_in_dim3A : vector<256x1024xi1>, vector<256x1024xf32>
    %div3A = arith.divf %get3A_4, %select_n3A : vector<256x1024xf32>
    %jit3A_13 = arith.constant 0.000000e+00 : f32
    %broadcast_in_dim3A_14 = vector.broadcast %jit3A_13 : f32 to vector<256x1024xf32>
    %select_n3A_15 = arith.select %gt3A_9, %div3A, %broadcast_in_dim3A_14 : vector<256x1024xi1>, vector<256x1024xf32>
    %mul3A = arith.constant 0.949999988 : f32
    %mul3A_16 = vector.broadcast %mul3A : f32 to vector<256x1024xf32>
    %mul3A_17 = arith.mulf %mul3A_16, %get3A_1 : vector<256x1024xf32>
    %mul3A_18 = arith.constant 5.000000e-02 : f32
    %mul3A_19 = vector.broadcast %mul3A_18 : f32 to vector<256x1024xf32>
    %mul3A_20 = arith.mulf %mul3A_19, %select_n3A_15 : vector<256x1024xf32>
    %add3A = arith.addf %mul3A_17, %mul3A_20 : vector<256x1024xf32>
    %swap3A = arith.constant 0 : index
    %swap3A_21 = arith.constant 0 : index
    %swap3A_22 = vector.load %arg4[%swap3A, %swap3A_21] : memref<256x1024xf32, #tpu.memory_space<vmem>>, vector<256x1024xf32>
    tpu.vector_store %arg4[%swap3A, %swap3A_21], %add3A {strides = array<i32>} : memref<256x1024xf32, #tpu.memory_space<vmem>>, vector<256x1024xf32>,
    return
  }
  func.func @transform_0(%arg0: i32) -> (i32, i32) {
    %c0_i32 = arith.constant 0 : i32
    %c0_i32_0 = arith.constant 0 : i32
    return %arg0, %c0_i32 : i32, i32
  }
  func.func @transform_1(%arg0: i32) -> (i32, i32) {
    %c0_i32 = arith.constant 0 : i32
    %c0_i32_0 = arith.constant 0 : i32
    return %arg0, %c0_i32 : i32, i32
  }
  func.func @transform_2(%arg0: i32) -> (i32, i32) {
    %c0_i32 = arith.constant 0 : i32
    %c0_i32_0 = arith.constant 0 : i32
    return %arg0, %c0_i32 : i32, i32
  }
  func.func @transform_3(%arg0: i32) -> (i32, i32) {
    %c0_i32 = arith.constant 0 : i32
    %c0_i32_0 = arith.constant 0 : i32
    return %arg0, %c0_i32 : i32, i32
  }
}

</mosaic_0001>

<sc_bundles>
// kernel: kernel.5.cloned.1.call-start
scs
__scs_entry_jumppad:
0x0: {  	(pc) =	sbr.rel $0x88, $3  }
0x1: {  	(tag) =	ssettag $0x0;
	lr =	simm.s32 $0x1  }
0x2: {  	[smem:$0x3F9C] =	sst lr;
	_ =	strace $0xD0000000  }
0x3: {  	_ = 	snop  }
0x4: {  	_ = 	snop  }
0x5: {  	_ = 	snop  }
0x6: {  	_ = 	snop  }
0x7: {  	_ = 	snop  }
__scs_overlays_trampoline_lowered:
0x8: {  	[smem:$0x3FAB] =	sst s0  }
0x9: {  	[smem:$0x3FAC] =	sst s1  }
0xa: {  	[smem:$0x3FAD] =	sst s2  }
0xb: {  	[smem:$0x3FAE] =	sst s3  }
0xc: {  	[smem:$0x3FAF] =	sst s4  }
0xd: {  	[smem:$0x3FB0] =	sst s5  }
0xe: {  	[smem:$0x3FB1] =	sst s6  }
0xf: {  	[smem:$0x3FB2] =	sst s7  }
0x10: {  	[smem:$0x3FB3] =	sst s8  }
0x11: {  	[smem:$0x3FB4] =	sst s9;
	s0 =	simm.s32 @!p0 $0x0  }
0x12: {  	s1 =	sld [smem:$0x3F9A];
	s0 =	simm.s32 @p0 $0x1  }
0x13: {  	[smem:$0x3FB5] =	sst s0;
	s0 =	simm.s32 @!p1 $0x0  }
0x14: {  	s2 =	sld [smem:$0x3F99];
	s0 =	simm.s32 @p1 $0x1  }
0x15: {  	[smem:$0x3FB6] =	sst s0;
	s0 =	simm.s32 @!p2 $0x0  }
0x16: {  	s3 =	sld [smem:$0x3FDB];
	s0 =	simm.s32 @p2 $0x1  }
0x17: {  	s4 =	simm.s32 $0x1BF5;
	[smem:$0x3FB8] =	sst s0  }
0x18: {  	s0 =	sld [smem:$0x3F9B];
	_ =	swait.ge [sflag:s4], $0x0  }
0x19: {  	s7 =	sld [smem:$0x3F9C]  }
0x1a: {  	s8 =	sadd.s32 $0xFFFFE003, lr  }
0x1b: {  	s9 =	sadd.s32 $0xFFFFFEF7, lr;
	s5 =	simm.s32 $0xFFFFFFFF;
	p2 =	slt.u32 s8, $0xFFFFF086  }
0x1c: {  	p1 =	slt.u32 s9, $0xF7A;
	s5 =	simm.s32 @!p2 $0x0  }
0x1d: {  	s5 =	simm.s32 @p1 $0x1;
	p0 =	seq.s32 s7, s2  }
0x1e: {  	s7 =	smul.u32 @!p0 $0xF7A, s2;
	p2 =	seq.s32 @!p0 s5, $0x0  }
0x1f: {  	s9 =	smul.u32 $0xF7A, s1;
	s8 =	simm.s32 @!p0 $0x1BF5;
	p2 =	por !p2, p0  }
0x20: {  	[sflag:s8] =	ssyncset.s32 @!p0 $0xFFFFF086;
	s6 =	sadd.s32 @!p0 s3, s7;
	s7 =	simm.s32 @!p0 $0x108  }
0x21: {  	s3 =	sadd.s32 s3, s9;
	s6 =	sadd.s32 @!p0 $0x88, s6;
	s7 =	simm.s32 @p2 $0x1082  }
0x22: {  	[simem:s7], [sflag:s8] =	dma.local @!p0 [hbm:s6], $0xF7A  }
0x23: {  	s9 =	sor.u32 $0xD0000000, s2;
	s6 =	simm.s32 $0x108;
	_ =	swait.ge @!p0 [sflag:s8], $0x0  }
0x24: {  	s3 =	sadd.s32 $0x88, s3;
	s6 =	simm.s32 @!p1 $0x1082;
	[sflag:s4] =	ssyncset.s32 $0xFFFFF086  }
0x25: {  	[simem:s6], [sflag:s4] =	dma.local [hbm:s3], $0xF7A  }
0x26: {  	[smem:$0x3F9C] =	sst s1;
	(tag) =	ssettag s2;
	_ =	strace s9  }
0x27: {  	s1 =	sld [smem:$0x3FAC]  }
0x28: {  	s2 =	sld [smem:$0x3FAD]  }
0x29: {  	s4 =	sld [smem:$0x3FAF]  }
0x2a: {  	p0 =	seq.s32 s5, $0x0;
	s5 =	sld [smem:$0x3FB0]  }
0x2b: {  	s6 =	sld [smem:$0x3FB1]  }
0x2c: {  	s7 =	sld [smem:$0x3FB2]  }
0x2d: {  	s3 =	simm.s32 $0x108;
	s8 =	sld [smem:$0x3FB3]  }
0x2e: {  	s3 =	simm.s32 @!p0 $0x1082;
	s9 =	sld [smem:$0x3FB4]  }
0x2f: {  	lr =	sadd.s32 s0, s3;
	s0 =	sld [smem:$0x3FAB]  }
0x30: {  	s3 =	sld [smem:$0x3FAE]  }
0x31: {  	[smem:$0x3FB7] =	sst s10  }
0x32: {  	s10 =	sld [smem:$0x3FB5];
	_ =	sdelay $0x3  }
0x33: {  	p0 =	seq.s32 s10, $0x1;
	s10 =	sld [smem:$0x3FB7];
	_ =	sdelay $0x3  }
0x34: {  	[smem:$0x3FB7] =	sst s10  }
0x35: {  	s10 =	sld [smem:$0x3FB6];
	_ =	sdelay $0x3  }
0x36: {  	p1 =	seq.s32 s10, $0x1;
	s10 =	sld [smem:$0x3FB7];
	_ =	sdelay $0x3  }
0x37: {  	[smem:$0x3FB7] =	sst s10  }
0x38: {  	s10 =	sld [smem:$0x3FB8]  }
0x39: {  	_ = 	snop;
	(pc) =	sbr.ind lr, $3  }
0x3a: {  	_ = 	snop  }
0x3b: {  	_ = 	snop  }
0x3c: {  	p2 =	seq.s32 s10, $0x1;
	s10 =	sld [smem:$0x3FB7]  }
0x3d: {  	_ =	shalt  }
0x3e: {  	_ =	shalt  }
0x3f: {  	_ =	shalt  }
0x40: {  	_ =	shalt  }
0x41: {  	_ =	shalt  }
0x42: {  	_ =	shalt  }
0x43: {  	_ =	shalt  }
0x44: {  	_ =	shalt  }
0x45: {  	_ =	shalt  }
0x46: {  	_ =	shalt  }
0x47: {  	_ =	shalt  }
0x48: {  	_ =	shalt  }
0x49: {  	_ =	shalt  }
0x4a: {  	_ =	shalt  }
0x4b: {  	_ =	shalt  }
0x4c: {  	_ =	shalt  }
0x4d: {  	_ =	shalt  }
0x4e: {  	_ =	shalt  }
0x4f: {  	_ =	shalt  }
0x50: {  	_ =	shalt  }
0x51: {  	_ =	shalt  }
0x52: {  	_ =	shalt  }
0x53: {  	_ =	shalt  }
0x54: {  	_ =	shalt  }
0x55: {  	_ =	shalt  }
0x56: {  	_ =	shalt  }
0x57: {  	_ =	shalt  }
0x58: {  	_ =	shalt  }
0x59: {  	_ =	shalt  }
0x5a: {  	_ =	shalt  }
0x5b: {  	_ =	shalt  }
0x5c: {  	_ =	shalt  }
0x5d: {  	_ =	shalt  }
0x5e: {  	_ =	shalt  }
0x5f: {  	_ =	shalt  }
0x60: {  	_ =	shalt  }
0x61: {  	_ =	shalt  }
0x62: {  	_ =	shalt  }
0x63: {  	_ =	shalt  }
0x64: {  	_ =	shalt  }
0x65: {  	_ =	shalt  }
0x66: {  	_ =	shalt  }
0x67: {  	_ =	shalt  }
0x68: {  	_ =	shalt  }
0x69: {  	_ =	shalt  }
0x6a: {  	_ =	shalt  }
0x6b: {  	_ =	shalt  }
0x6c: {  	_ =	shalt  }
0x6d: {  	_ =	shalt  }
0x6e: {  	_ =	shalt  }
0x6f: {  	_ =	shalt  }
0x70: {  	_ =	shalt  }
0x71: {  	_ =	shalt  }
0x72: {  	_ =	shalt  }
0x73: {  	_ =	shalt  }
0x74: {  	_ =	shalt  }
0x75: {  	_ =	shalt  }
0x76: {  	_ =	shalt  }
0x77: {  	_ =	shalt  }
0x78: {  	_ =	shalt  }
0x79: {  	_ =	shalt  }
0x7a: {  	_ =	shalt  }
0x7b: {  	_ =	shalt  }
0x7c: {  	_ =	shalt  }
0x7d: {  	_ =	shalt  }
0x7e: {  	_ =	shalt  }
0x7f: {  	_ =	shalt  }
0x80: {  	_ =	shalt  }
0x81: {  	_ =	shalt  }
0x82: {  	_ =	shalt  }
0x83: {  	_ =	shalt  }
0x84: {  	_ =	shalt  }
0x85: {  	_ =	shalt  }
0x86: {  	_ =	shalt  }
0x87: {  	_ =	shalt  }
.Lfunc_end0:
.L_simem_size_0:
called_computation_lowered:
.L_overlay_start_0:
0x88: {  	s2 =	sld [smem:$0x3FD9]  }
0x89: {  	s3 =	sld [smem:$0x3FFE];
	_ =	sdelay $0x1  }
0x8a: {  	s1 =	srdreg.scid  }
0x8b: {  	s0 =	sand.u32 $0x1, s1  }
0x8c: {  	s17 =	sshll.u32 s0, $0xA;
	s2 =	sadd.s32 s3, s2  }
0x8d: {  	s2 =	sadd.s32 s2, s17  }
0x8e: {  	[smem:$0x3FC3] =	sst s2  }
0x8f: {  	_ = 	snop  }
0x90: {  	s2 =	sld [smem:$0x3FD0];
	(tm) =	ssettm $0x1  }
0x91: {  	s18 =	sld [smem:$0x3FFB];
	_ =	sdelay $0x3  }
0x92: {  	_ =	strace s18  }
0x93: {  	s3 =	sld [smem:$0x3FFC];
	_ =	sdelay $0x3  }
0x94: {  	_ =	strace s3  }
0x95: {  	s3 =	sld [smem:$0x3FFD];
	_ =	sdelay $0x3  }
0x96: {  	_ =	strace s3  }
0x97: {  	_ =	strace $0x8FFFFFFF  }
0x98: {  	s19 =	sld [smem:$0x3FDB];
	_ =	sdelay $0x1  }
0x99: {  	s4 =	simm.s32 $_scs_section_size  }
0x9a: {  	s5 =	simm.s32 $_size__tile_overlayer_lowered;
	s6 =	simm.s32 $_tile_overlayer_lowered  }
0x9b: {  	s22 =	simm.s32 $0x1BFF;
	s21 =	sshll.u32 s6, $0x1;
	s3 =	sadd.s32 s4, s19  }
0x9c: {  	s7 =	simm.s32 $0x0;
	s20 =	sshll.u32 s5, $0x1;
	s5 =	sadd.s32 s21, s3  }
0x9d: {  	[timem:s7], [sflag:s22] =	dma.local [hbm:s5], s20  }
0x9e: {  	_ =	swait.ge [sflag:s22], s20  }
0x9f: {  	s4 =	ssub.s32 $0x0, s20;
	[sflag:s22] =	ssyncset.done $0x0  }
0xa0: {  	[sflag:s22] =	ssyncadd.s32 s4;
	_ =	sdelay $0x1  }
0xa1: {  	s23 =	simm.s32 $0x1B8B  }
0xa2: {  	_ =	swait.ge [sflag:s23], $0x1  }
0xa3: {  	[sflag:s23] =	ssyncset.done $0x0  }
0xa4: {  	s25 =	simm.s32 $0x1B8E;
	s24 =	sld [smem:$0x3FFE];
	[sflag:s23] =	ssyncadd.s32 $0xFFFFFFFF  }
0xa5: {  	s26 =	simm.s32 $execute0_lowered;
	[smem:$0x3FD2] =	sst s25  }
0xa6: {  	s5 =	sshll.u32 s26, $0x1;
	_ =	strace $0x80000046;
	[dreg:$0x1] =	wrdreg $0xFFFFFFFF  }
0xa7: {  	s28 =	simm.s32 $_size_execute0_lowered;
	s3 =	sadd.s32 s3, s5;
	[dreg:$0x0] =	wrdreg $0x0  }
0xa8: {  	s5 =	sshll.u32 s28, $0x1;
	[dreg:$0x2] =	wrdreg s3  }
0xa9: {  	[dreg:$0x3] =	wrdreg s5  }
0xaa: {  	[dreg:$0x4] =	wrdreg $0xC0  }
0xab: {  	_ =	task [dreg:s7], $0x5FFFF  }
0xac: {  	[dreg:$0x1] =	wrdreg $0xFFFFFFFF  }
0xad: {  	[dreg:$0x0] =	wrdreg $0x60  }
0xae: {  	[dreg:$0x2] =	wrdreg s2  }
0xaf: {  	[dreg:$0x3] =	wrdreg s24  }
0xb0: {  	[dreg:$0x4] =	wrdreg $0xC0000  }
0xb1: {  	[dreg:$0x5] =	wrdreg $0x9  }
0xb2: {  	_ =	task.clear_ibuf [dreg:s7], $0x6FFFF;
	_ =	strace $0x90000046  }
0xb3: {  	s29 =	simm.s32 $0x9;
	_ =	strace $0x80000048  }
0xb4: {  	_ =	swait.ge [sflag:s29], $0x1  }
0xb5: {  	[sflag:s29] =	ssyncadd.s32 $0xFFFFFFFF  }
0xb6: {  	_ =	strace $0x90000048  }
0xb7: {  	_ =	sfence  }
0xb8: {  	s30 =	sld [smem:$0x0];
	_ =	sdelay $0x2  }
0xb9: {  	s31 =	sshll.u32 s1, $0xD;
	s1 =	sshrl.u32 s1, $0x2  }
0xba: {  	s3 =	sand.u32 $0x4000, s31;
	s1 =	sadd.s32 s1, s30  }
0xbb: {  	s0 =	sor.u32 s3, s0;
	s1 =	sshll.u32 s1, $0x11  }
0xbc: {  	s0 =	sor.u32 s1, s0  }
0xbd: {  	s0 =	sadd.s32 $0x8F2B, s0  }
0xbe: {  	[sflag:s0] =	ssyncadd.remote.s32 $0x1  }
0xbf: {  	_ =	sfence.sel $0xFFFF  }
0xc0: {  	[dreg:$0x0] =	wrdreg $0xFFFFFFFF;
	(pc) =	sbr.abs _section_cstart, $3  }
0xc1: {  	[dreg:$0x1] =	wrdreg $0xFFFFFFFF  }
0xc2: {  	_ =	task.clear_ibuf [dreg:s7], $0x2FFFF;
	_ =	strace $0x9FFFFFFF  }
0xc3: {  	(tm) =	ssettm $0x7FFFFFFF  }
tec
execute0_lowered:
.L_overlay_start_1:
0x0: {  	(tag) =	ssettag $0x1  }
0x1: {  	s19 =	rddreg [dreg:$0x0]  }
0x2: {  	s21 =	rddreg [dreg:$0x1]  }
0x3: {  	s2 =	rddreg [dreg:$0x2]  }
0x4: {  	s0 =	rddreg [dreg:$0x3];
	s3 =	simm.s32 $0x0;
	s1 =	stileid.u32  }
0x5: {  	s5 =	srdreg.scid;
	s6 =	simm.s32 $0x8000;
	[smem:$0x7FF] =	sst s3  }
0x6: {  	s4 =	sadd.s32 $0x21A00, s21;
	s13 =	sshll.u32 s1, $0xD;
	s22 =	sand.u32 $0x1, s5  }
0x7: {  	s23 =	sshll.u32 s1, $0x10;
	s5 =	simm.s32 $0x1;
	_ =	strace $0x80000047  }
0x8: {  	[tilespmem:s6], [sflag:$0x1] =	stream.linear.gather [hbm4b:s4+s3], $0x4000, $0x38;
	[tilespmem:$0x1C008] =	vst v63  }
0x9: {  	s9 =	sshll.u32 s1, $0x6;
	s7 =	sadd.s32 s13, s21;
	_ =	swait.ge [sflag:s5], $0x4000  }
0xa: {  	s8 =	sadd.s32 s23, s2;
	s9 =	sor.u32 $0x1C01, s9;
	[sflag:s5] =	ssyncset.done $0x0  }
0xb: {  	s7 =	sadd.s32 $0x1A00, s7;
	s8 =	sshrl.u32 s8, $0x3;
	[sflag:s5] =	ssyncadd.s32 $0xFFFFC000  }
0xc: {  	[spmem:s8], [sflag:s9] =	dma.local [hbm:s7], $0x2000  }
0xd: {  	s10 =	sshll.u32 s1, $0x11;
	s20 =	sshll.u32 s22, $0x7;
	_ =	swait.ge [sflag:s5], $0x2000  }
0xe: {  	s10 =	sor.u32 s20, s10;
	[sflag:s5] =	ssyncset.done $0x0  }
0xf: {  	s11 =	simm.s32 $0x80;
	s10 =	sshrl.u32 s10, $0x3;
	[sflag:s5] =	ssyncadd.s32 $0xFFFFE000  }
0x10: {  	s12 =	simm.s32 $0x100;
	s10 =	sadd.s32 s19, s10;
	[bflag:$0x0] =	sbarrier.arrive $0xFFFF  }
0x11: {  	[tilespmem:s3], [sflag:$0x1] =	stream.strided.gather [hbm4b:s10+s11], $0x4000, s12, s11, $0x38;
	[tilespmem:$0x1C008] =	vst v63  }
0x12: {  	_ =	swait.ge [sflag:s5], $0x4000  }
0x13: {  	s24 =	sadd.s32 $0x81A00, s21;
	[sflag:s5] =	ssyncset.done $0x0  }
0x14: {  	s14 =	simm.s32 $0x4000;
	s13 =	sadd.s32 s24, s13;
	[sflag:s5] =	ssyncadd.s32 $0xFFFFC000  }
0x15: {  	[tilespmem:s14], [sflag:$0x1] =	stream.linear.gather [hbm4b:s13+s3], $0x4000, $0x38;
	[tilespmem:$0x1C008] =	vst v63  }
0x16: {  	s25 =	sshll.u32 s1, $0x9;
	_ =	swait.ge [sflag:s5], $0x4000  }
0x17: {  	s16 =	sor.u32 $0x80, s25;
	[sflag:s5] =	ssyncset.done $0x0  }
0x18: {  	s15 =	sshll.u32 s16, $0x8;
	[sflag:s5] =	ssyncadd.s32 $0xFFFFC000  }
0x19: {  	[spmem:s2] =	stream.indirect.scatter.add.f32 [tilespmem:s14], [sflag:$0x1], $0x1, s3, s14, $0xb8;
	[tilespmem:$0x1C008] =	vst v63  }
0x1a: {  	s15 =	sor.u32 s20, s15;
	_ =	swait.ge [sflag:s5], $0x4000  }
0x1b: {  	s15 =	sshrl.u32 s15, $0x3;
	[sflag:s5] =	ssyncset.done $0x0  }
0x1c: {  	s15 =	sadd.s32 s19, s15;
	[sflag:s5] =	ssyncadd.s32 $0xFFFFC000  }
0x1d: {  	[tilespmem:s3], [sflag:$0x1] =	stream.strided.gather [hbm4b:s15+s11], $0x4000, s12, s11, $0x38;
	[tilespmem:$0x1C008] =	vst v63  }
0x1e: {  	_ =	swait.ge [sflag:s5], $0x4000  }
0x1f: {  	s16 =	sshll.u32 s16, $0x4;
	[sflag:s5] =	ssyncset.done $0x0  }
0x20: {  	s16 =	sadd.s32 s24, s16;
	[sflag:s5] =	ssyncadd.s32 $0xFFFFC000  }
0x21: {  	[tilespmem:s14], [sflag:$0x1] =	stream.linear.gather [hbm4b:s16+s3], $0x4000, $0x38;
	[tilespmem:$0x1C008] =	vst v63  }
0x22: {  	_ =	swait.ge [sflag:s5], $0x4000  }
0x23: {  	s18 =	sor.u32 $0x100, s25;
	[sflag:s5] =	ssyncset.done $0x0  }
0x24: {  	s17 =	sshll.u32 s18, $0x8;
	[sflag:s5] =	ssyncadd.s32 $0xFFFFC000  }
0x25: {  	[spmem:s2] =	stream.indirect.scatter.add.f32 [tilespmem:s14], [sflag:$0x1], $0x1, s3, s14, $0xb8;
	[tilespmem:$0x1C008] =	vst v63  }
0x26: {  	s17 =	sor.u32 s20, s17;
	_ =	swait.ge [sflag:s5], $0x4000  }
0x27: {  	s17 =	sshrl.u32 s17, $0x3;
	[sflag:s5] =	ssyncset.done $0x0  }
0x28: {  	s17 =	sadd.s32 s19, s17;
	[sflag:s5] =	ssyncadd.s32 $0xFFFFC000  }
0x29: {  	[tilespmem:s3], [sflag:$0x1] =	stream.strided.gather [hbm4b:s17+s11], $0x4000, s12, s11, $0x38;
	[tilespmem:$0x1C008] =	vst v63  }
0x2a: {  	_ =	swait.ge [sflag:s5], $0x4000  }
0x2b: {  	s18 =	sshll.u32 s18, $0x4;
	[sflag:s5] =	ssyncset.done $0x0  }
0x2c: {  	s18 =	sadd.s32 s24, s18;
	[sflag:s5] =	ssyncadd.s32 $0xFFFFC000  }
0x2d: {  	[tilespmem:s14], [sflag:$0x1] =	stream.linear.gather [hbm4b:s18+s3], $0x4000, $0x38;
	[tilespmem:$0x1C008] =	vst v63  }
0x2e: {  	_ =	swait.ge [sflag:s5], $0x4000  }
0x2f: {  	s25 =	sor.u32 $0x180, s25;
	[sflag:s5] =	ssyncset.done $0x0  }
0x30: {  	s26 =	sshll.u32 s25, $0x8;
	[sflag:s5] =	ssyncadd.s32 $0xFFFFC000  }
0x31: {  	[spmem:s2] =	stream.indirect.scatter.add.f32 [tilespmem:s14], [sflag:$0x1], $0x1, s3, s14, $0xb8;
	[tilespmem:$0x1C008] =	vst v63  }
0x32: {  	s20 =	sor.u32 s20, s26;
	_ =	swait.ge [sflag:s5], $0x4000  }
0x33: {  	s20 =	sshrl.u32 s20, $0x3;
	[sflag:s5] =	ssyncset.done $0x0  }
0x34: {  	s19 =	sadd.s32 s19, s20;
	[sflag:s5] =	ssyncadd.s32 $0xFFFFC000  }
0x35: {  	[tilespmem:s3], [sflag:$0x1] =	stream.strided.gather [hbm4b:s19+s11], $0x4000, s12, s11, $0x38;
	[tilespmem:$0x1C008] =	vst v63  }
0x36: {  	_ =	swait.ge [sflag:s5], $0x4000  }
0x37: {  	s28 =	sshll.u32 s25, $0x4;
	[sflag:s5] =	ssyncset.done $0x0  }
0x38: {  	s20 =	sadd.s32 s24, s28;
	[sflag:s5] =	ssyncadd.s32 $0xFFFFC000  }
0x39: {  	[tilespmem:s14], [sflag:$0x1] =	stream.linear.gather [hbm4b:s20+s3], $0x4000, $0x38;
	[tilespmem:$0x1C008] =	vst v63  }
0x3a: {  	_ =	swait.ge [sflag:s5], $0x4000  }
0x3b: {  	[sflag:s5] =	ssyncset.done $0x0  }
0x3c: {  	s29 =	sshll.u32 s22, $0x14;
	[sflag:s5] =	ssyncadd.s32 $0xFFFFC000  }
0x3d: {  	[spmem:s2] =	stream.indirect.scatter.add.f32 [tilespmem:s14], [sflag:$0x1], $0x1, s3, s14, $0xb8;
	[tilespmem:$0x1C008] =	vst v63  }
0x3e: {  	s23 =	sor.u32 s23, s29;
	_ =	swait.ge [sflag:s5], $0x4000  }
0x3f: {  	s23 =	sshrl.u32 s23, $0x3;
	[sflag:s5] =	ssyncset.done $0x0  }
0x40: {  	s23 =	sadd.s32 s23, s21;
	[sflag:s5] =	ssyncadd.s32 $0xFFFFC000  }
0x41: {  	s21 =	sadd.s32 $0xA1A00, s23;
	[bflag:$0x0] =	sbarrier.arrive $0xFFFF  }
0x42: {  	[hbm:s21], [sflag:s9] =	dma.local [spmem:s8], $0x2000  }
0x43: {  	_ =	swait.ge [sflag:s5], $0x2000  }
0x44: {  	[sflag:s5] =	ssyncset.done $0x0  }
0x45: {  	[sflag:s5] =	ssyncadd.s32 $0xFFFFE000  }
0x46: {  	[spmem:s8], [sflag:s9] =	dma.local [hbm:s7], $0x2000  }
0x47: {  	_ =	swait.ge [sflag:s5], $0x2000  }
0x48: {  	[sflag:s5] =	ssyncset.done $0x0  }
0x49: {  	[sflag:s5] =	ssyncadd.s32 $0xFFFFE000  }
0x4a: {  	[bflag:$0x0] =	sbarrier.arrive $0xFFFF  }
0x4b: {  	[tilespmem:s3], [sflag:$0x1] =	stream.strided.gather [hbm4b:s10+s11], $0x4000, s12, s11, $0x38;
	[tilespmem:$0x1C008] =	vst v63  }
0x4c: {  	_ =	swait.ge [sflag:s5], $0x4000  }
0x4d: {  	[sflag:s5] =	ssyncset.done $0x0  }
0x4e: {  	[sflag:s5] =	ssyncadd.s32 $0xFFFFC000  }
0x4f: {  	[spmem:s2] =	stream.indirect.scatter.add.f32 [tilespmem:s6], [sflag:$0x1], $0x1, s3, s14, $0xb8;
	[tilespmem:$0x1C008] =	vst v63  }
0x50: {  	_ =	swait.ge [sflag:s5], $0x4000  }
0x51: {  	[sflag:s5] =	ssyncset.done $0x0  }
0x52: {  	[sflag:s5] =	ssyncadd.s32 $0xFFFFC000  }
0x53: {  	[tilespmem:s3], [sflag:$0x1] =	stream.strided.gather [hbm4b:s15+s11], $0x4000, s12, s11, $0x38;
	[tilespmem:$0x1C008] =	vst v63  }
0x54: {  	_ =	swait.ge [sflag:s5], $0x4000  }
0x55: {  	[sflag:s5] =	ssyncset.done $0x0  }
0x56: {  	[sflag:s5] =	ssyncadd.s32 $0xFFFFC000  }
0x57: {  	[spmem:s2] =	stream.indirect.scatter.add.f32 [tilespmem:s6], [sflag:$0x1], $0x1, s3, s14, $0xb8;
	[tilespmem:$0x1C008] =	vst v63  }
0x58: {  	_ =	swait.ge [sflag:s5], $0x4000  }
0x59: {  	[sflag:s5] =	ssyncset.done $0x0  }
0x5a: {  	[sflag:s5] =	ssyncadd.s32 $0xFFFFC000  }
0x5b: {  	[tilespmem:s3], [sflag:$0x1] =	stream.strided.gather [hbm4b:s17+s11], $0x4000, s12, s11, $0x38;
	[tilespmem:$0x1C008] =	vst v63  }
0x5c: {  	_ =	swait.ge [sflag:s5], $0x4000  }
0x5d: {  	[sflag:s5] =	ssyncset.done $0x0  }
0x5e: {  	[sflag:s5] =	ssyncadd.s32 $0xFFFFC000  }
0x5f: {  	[spmem:s2] =	stream.indirect.scatter.add.f32 [tilespmem:s6], [sflag:$0x1], $0x1, s3, s14, $0xb8;
	[tilespmem:$0x1C008] =	vst v63  }
0x60: {  	_ =	swait.ge [sflag:s5], $0x4000  }
0x61: {  	[sflag:s5] =	ssyncset.done $0x0  }
0x62: {  	[sflag:s5] =	ssyncadd.s32 $0xFFFFC000  }
0x63: {  	[tilespmem:s3], [sflag:$0x1] =	stream.strided.gather [hbm4b:s19+s11], $0x4000, s12, s11, $0x38;
	[tilespmem:$0x1C008] =	vst v63  }
0x64: {  	s22 =	ssub.s32 $0x2, s22;
	_ =	swait.ge [sflag:s5], $0x4000  }
0x65: {  	s30 =	sshrl.u32 s22, $0x1;
	[sflag:s5] =	ssyncset.done $0x0  }
0x66: {  	s24 =	ssub.s32 s22, s30;
	[sflag:s5] =	ssyncadd.s32 $0xFFFFC000  }
0x67: {  	[spmem:s2] =	stream.indirect.scatter.add.f32 [tilespmem:s6], [sflag:$0x1], $0x1, s3, s14, $0xb8;
	[tilespmem:$0x1C008] =	vst v63  }
0x68: {  	s31 =	smax.u32 s24, $0x1;
	_ =	swait.ge [sflag:s5], $0x4000  }
0x69: {  	p0 =	sne.s32 s31, $0x1;
	[sflag:s5] =	ssyncset.done $0x0  }
.Ltmp0:
0x6a: {  	[sflag:s5] =	ssyncadd.s32 $0xFFFFC000;
	(pc) =	sbr.rel @!p0 .LBB2_2-.Ltmp0, $4  }
0x6b: {  	s22 =	sadd.s32 $0x22200, s23;
	[bflag:$0x0] =	sbarrier.arrive $0xFFFF  }
0x6c: {  	[hbm:s22], [sflag:s9] =	dma.local [spmem:s8], $0x2000  }
0x6d: {  	_ =	swait.ge [sflag:s5], $0x2000  }
0x6e: {  	s23 =	sadd.s32 $0xFFFFFFFF, s31;
	[sflag:s5] =	ssyncset.done $0x0  }
.LBB2_1:
0x6f: {  	p0 =	sne.s32 s23, $0x1;
	s23 =	sadd.s32 $0xFFFFFFFF, s23;
	[sflag:s5] =	ssyncadd.s32 $0xFFFFE000  }
0x70: {  	[tilespmem:s6], [sflag:$0x1] =	stream.linear.gather [hbm4b:s4+s3], $0x4000, $0x38;
	[tilespmem:$0x1C008] =	vst v63  }
0x71: {  	_ =	swait.ge [sflag:s5], $0x4000  }
0x72: {  	[sflag:s5] =	ssyncset.done $0x0  }
0x73: {  	[sflag:s5] =	ssyncadd.s32 $0xFFFFC000  }
0x74: {  	[spmem:s8], [sflag:s9] =	dma.local [hbm:s7], $0x2000  }
0x75: {  	_ =	swait.ge [sflag:s5], $0x2000  }
0x76: {  	[sflag:s5] =	ssyncset.done $0x0  }
0x77: {  	[sflag:s5] =	ssyncadd.s32 $0xFFFFE000  }
0x78: {  	[bflag:$0x0] =	sbarrier.arrive $0xFFFF  }
0x79: {  	[tilespmem:s3], [sflag:$0x1] =	stream.strided.gather [hbm4b:s10+s11], $0x4000, s12, s11, $0x38;
	[tilespmem:$0x1C008] =	vst v63  }
0x7a: {  	_ =	swait.ge [sflag:s5], $0x4000  }
0x7b: {  	[sflag:s5] =	ssyncset.done $0x0  }
0x7c: {  	[sflag:s5] =	ssyncadd.s32 $0xFFFFC000  }
0x7d: {  	[tilespmem:s14], [sflag:$0x1] =	stream.linear.gather [hbm4b:s13+s3], $0x4000, $0x38;
	[tilespmem:$0x1C008] =	vst v63  }
0x7e: {  	_ =	swait.ge [sflag:s5], $0x4000  }
0x7f: {  	[sflag:s5] =	ssyncset.done $0x0  }
0x80: {  	[sflag:s5] =	ssyncadd.s32 $0xFFFFC000  }
0x81: {  	[spmem:s2] =	stream.indirect.scatter.add.f32 [tilespmem:s14], [sflag:$0x1], $0x1, s3, s14, $0xb8;
	[tilespmem:$0x1C008] =	vst v63  }
0x82: {  	_ =	swait.ge [sflag:s5], $0x4000  }
0x83: {  	[sflag:s5] =	ssyncset.done $0x0  }
0x84: {  	[sflag:s5] =	ssyncadd.s32 $0xFFFFC000  }
0x85: {  	[tilespmem:s3], [sflag:$0x1] =	stream.strided.gather [hbm4b:s15+s11], $0x4000, s12, s11, $0x38;
	[tilespmem:$0x1C008] =	vst v63  }
0x86: {  	_ =	swait.ge [sflag:s5], $0x4000  }
0x87: {  	[sflag:s5] =	ssyncset.done $0x0  }
0x88: {  	[sflag:s5] =	ssyncadd.s32 $0xFFFFC000  }
0x89: {  	[tilespmem:s14], [sflag:$0x1] =	stream.linear.gather [hbm4b:s16+s3], $0x4000, $0x38;
	[tilespmem:$0x1C008] =	vst v63  }
0x8a: {  	_ =	swait.ge [sflag:s5], $0x4000  }
0x8b: {  	[sflag:s5] =	ssyncset.done $0x0  }
0x8c: {  	[sflag:s5] =	ssyncadd.s32 $0xFFFFC000  }
0x8d: {  	[spmem:s2] =	stream.indirect.scatter.add.f32 [tilespmem:s14], [sflag:$0x1], $0x1, s3, s14, $0xb8;
	[tilespmem:$0x1C008] =	vst v63  }
0x8e: {  	_ =	swait.ge [sflag:s5], $0x4000  }
0x8f: {  	[sflag:s5] =	ssyncset.done $0x0  }
0x90: {  	[sflag:s5] =	ssyncadd.s32 $0xFFFFC000  }
0x91: {  	[tilespmem:s3], [sflag:$0x1] =	stream.strided.gather [hbm4b:s17+s11], $0x4000, s12, s11, $0x38;
	[tilespmem:$0x1C008] =	vst v63  }
0x92: {  	_ =	swait.ge [sflag:s5], $0x4000  }
0x93: {  	[sflag:s5] =	ssyncset.done $0x0  }
0x94: {  	[sflag:s5] =	ssyncadd.s32 $0xFFFFC000  }
0x95: {  	[tilespmem:s14], [sflag:$0x1] =	stream.linear.gather [hbm4b:s18+s3], $0x4000, $0x38;
	[tilespmem:$0x1C008] =	vst v63  }
0x96: {  	_ =	swait.ge [sflag:s5], $0x4000  }
0x97: {  	[sflag:s5] =	ssyncset.done $0x0  }
0x98: {  	[sflag:s5] =	ssyncadd.s32 $0xFFFFC000  }
0x99: {  	[spmem:s2] =	stream.indirect.scatter.add.f32 [tilespmem:s14], [sflag:$0x1], $0x1, s3, s14, $0xb8;
	[tilespmem:$0x1C008] =	vst v63  }
0x9a: {  	_ =	swait.ge [sflag:s5], $0x4000  }
0x9b: {  	[sflag:s5] =	ssyncset.done $0x0  }
0x9c: {  	[sflag:s5] =	ssyncadd.s32 $0xFFFFC000  }
0x9d: {  	[tilespmem:s3], [sflag:$0x1] =	stream.strided.gather [hbm4b:s19+s11], $0x4000, s12, s11, $0x38;
	[tilespmem:$0x1C008] =	vst v63  }
0x9e: {  	_ =	swait.ge [sflag:s5], $0x4000  }
0x9f: {  	[sflag:s5] =	ssyncset.done $0x0  }
0xa0: {  	[sflag:s5] =	ssyncadd.s32 $0xFFFFC000  }
0xa1: {  	[tilespmem:s14], [sflag:$0x1] =	stream.linear.gather [hbm4b:s20+s3], $0x4000, $0x38;
	[tilespmem:$0x1C008] =	vst v63  }
0xa2: {  	_ =	swait.ge [sflag:s5], $0x4000  }
0xa3: {  	[sflag:s5] =	ssyncset.done $0x0  }
0xa4: {  	[sflag:s5] =	ssyncadd.s32 $0xFFFFC000  }
0xa5: {  	[spmem:s2] =	stream.indirect.scatter.add.f32 [tilespmem:s14], [sflag:$0x1], $0x1, s3, s14, $0xb8;
	[tilespmem:$0x1C008] =	vst v63  }
0xa6: {  	_ =	swait.ge [sflag:s5], $0x4000  }
0xa7: {  	[sflag:s5] =	ssyncset.done $0x0  }
0xa8: {  	[sflag:s5] =	ssyncadd.s32 $0xFFFFC000  }
0xa9: {  	[bflag:$0x0] =	sbarrier.arrive $0xFFFF  }
0xaa: {  	[hbm:s21], [sflag:s9] =	dma.local [spmem:s8], $0x2000  }
0xab: {  	_ =	swait.ge [sflag:s5], $0x2000  }
0xac: {  	[sflag:s5] =	ssyncset.done $0x0  }
0xad: {  	[sflag:s5] =	ssyncadd.s32 $0xFFFFE000  }
0xae: {  	[spmem:s8], [sflag:s9] =	dma.local [hbm:s7], $0x2000  }
0xaf: {  	_ =	swait.ge [sflag:s5], $0x2000  }
0xb0: {  	[sflag:s5] =	ssyncset.done $0x0  }
0xb1: {  	[sflag:s5] =	ssyncadd.s32 $0xFFFFE000  }
0xb2: {  	[bflag:$0x0] =	sbarrier.arrive $0xFFFF  }
0xb3: {  	[tilespmem:s3], [sflag:$0x1] =	stream.strided.gather [hbm4b:s10+s11], $0x4000, s12, s11, $0x38;
	[tilespmem:$0x1C008] =	vst v63  }
0xb4: {  	_ =	swait.ge [sflag:s5], $0x4000  }
0xb5: {  	[sflag:s5] =	ssyncset.done $0x0  }
0xb6: {  	[sflag:s5] =	ssyncadd.s32 $0xFFFFC000  }
0xb7: {  	[spmem:s2] =	stream.indirect.scatter.add.f32 [tilespmem:s6], [sflag:$0x1], $0x1, s3, s14, $0xb8;
	[tilespmem:$0x1C008] =	vst v63  }
0xb8: {  	_ =	swait.ge [sflag:s5], $0x4000  }
0xb9: {  	[sflag:s5] =	ssyncset.done $0x0  }
0xba: {  	[sflag:s5] =	ssyncadd.s32 $0xFFFFC000  }
0xbb: {  	[tilespmem:s3], [sflag:$0x1] =	stream.strided.gather [hbm4b:s15+s11], $0x4000, s12, s11, $0x38;
	[tilespmem:$0x1C008] =	vst v63  }
0xbc: {  	_ =	swait.ge [sflag:s5], $0x4000  }
0xbd: {  	[sflag:s5] =	ssyncset.done $0x0  }
0xbe: {  	[sflag:s5] =	ssyncadd.s32 $0xFFFFC000  }
0xbf: {  	[spmem:s2] =	stream.indirect.scatter.add.f32 [tilespmem:s6], [sflag:$0x1], $0x1, s3, s14, $0xb8;
	[tilespmem:$0x1C008] =	vst v63  }
0xc0: {  	_ =	swait.ge [sflag:s5], $0x4000  }
0xc1: {  	[sflag:s5] =	ssyncset.done $0x0  }
0xc2: {  	[sflag:s5] =	ssyncadd.s32 $0xFFFFC000  }
0xc3: {  	[tilespmem:s3], [sflag:$0x1] =	stream.strided.gather [hbm4b:s17+s11], $0x4000, s12, s11, $0x38;
	[tilespmem:$0x1C008] =	vst v63  }
0xc4: {  	_ =	swait.ge [sflag:s5], $0x4000  }
0xc5: {  	[sflag:s5] =	ssyncset.done $0x0  }
0xc6: {  	[sflag:s5] =	ssyncadd.s32 $0xFFFFC000  }
0xc7: {  	[spmem:s2] =	stream.indirect.scatter.add.f32 [tilespmem:s6], [sflag:$0x1], $0x1, s3, s14, $0xb8;
	[tilespmem:$0x1C008] =	vst v63  }
0xc8: {  	_ =	swait.ge [sflag:s5], $0x4000  }
0xc9: {  	[sflag:s5] =	ssyncset.done $0x0  }
0xca: {  	[sflag:s5] =	ssyncadd.s32 $0xFFFFC000  }
0xcb: {  	[tilespmem:s3], [sflag:$0x1] =	stream.strided.gather [hbm4b:s19+s11], $0x4000, s12, s11, $0x38;
	[tilespmem:$0x1C008] =	vst v63  }
0xcc: {  	_ =	swait.ge [sflag:s5], $0x4000  }
0xcd: {  	[sflag:s5] =	ssyncset.done $0x0  }
0xce: {  	[sflag:s5] =	ssyncadd.s32 $0xFFFFC000  }
0xcf: {  	[spmem:s2] =	stream.indirect.scatter.add.f32 [tilespmem:s6], [sflag:$0x1], $0x1, s3, s14, $0xb8;
	[tilespmem:$0x1C008] =	vst v63  }
0xd0: {  	_ =	swait.ge [sflag:s5], $0x4000  }
0xd1: {  	[sflag:s5] =	ssyncset.done $0x0  }
.Ltmp1:
0xd2: {  	[sflag:s5] =	ssyncadd.s32 $0xFFFFC000;
	(pc) =	sbr.rel @p0 .LBB2_1-.Ltmp1, $4  }
0xd3: {  	[bflag:$0x0] =	sbarrier.arrive $0xFFFF  }
0xd4: {  	[hbm:s22], [sflag:s9] =	dma.local [spmem:s8], $0x2000  }
0xd5: {  	_ =	swait.ge [sflag:s5], $0x2000  }
0xd6: {  	[sflag:s5] =	ssyncset.done $0x0  }
.LBB2_2:
0xd7: {  	[sflag:s5] =	ssyncadd.s32 $0xFFFFE000  }
0xd8: {  	_ =	sfence.sel $0x180000  }
0xd9: {  	[bflag:$0x0] =	sbarrier.arrive $0xFFFF  }
0xda: {  	p0 =	sne.s32 s1, $0x0;
	_ =	strace $0x90000047  }
0xdb: {  	s0 =	sadd.s32 @!p0 $0x100000, s0;
	[bflag:$0x2] =	sbarrier.arrive $0xFFFF  }
0xdc: {  	[sflag:s0] =	ssyncadd.tile.s32 @!p0 $0x1;
	_ =	shalt  }
.Lfunc_end2:
_tile_overlayer_lowered:
.L_overlay_start_2:
0xdd: {  	(tag) =	ssettag $0x2  }
0xde: {  	s0 =	rddreg [dreg:$0x0];
	s2 =	stileid.u32  }
0xdf: {  	s1 =	rddreg [dreg:$0x1];
	p0 =	sne.s32 s2, $0x0  }
0xe0: {  	s3 =	rddreg [dreg:$0x2];
	[bflag:$0x3] =	sbarrier.arrive $0xFFFF;
	s2 =	simm.s32 @!p0 $0x1C01  }
0xe1: {  	[timem:s3], [sflag:s2] =	dma.local @!p0 [hbm:s0], s1  }
0xe2: {  	s0 =	simm.s32 @!p0 $0x1  }
0xe3: {  	_ =	swait.ge @!p0 [sflag:s0], s1  }
0xe4: {  	s1 =	ssub.s32 @!p0 $0x0, s1;
	[sflag:s0] =	ssyncset.done @!p0 $0x0  }
0xe5: {  	[sflag:s0] =	ssyncadd.s32 @!p0 s1  }
0xe6: {  	[bflag:$0x3] =	sbarrier.arrive $0xFFFF  }
0xe7: {  	_ =	shalt  }

</sc_bundles>
